<compile_context>
chip_gen: v7x
topology: tpu7x:2x2x1
jax: 0.10.2.dev20260603
libtpu: 0.0.44.dev20260713+nightly
codegen_flags: <defaults>
</compile_context>

<pallas_src>
import jax
import jax.numpy as jnp
from jax import lax
from jax.experimental import pallas as pl
from jax.experimental.pallas import tpu as pltpu
from jax.experimental.pallas import tpu_sc as plsc

NC = 2
NS = 16
NW = NC * NS
L = 16

B = 2
CH = 128
C = 44
H = W = D = 40
WG = 5
NWG = W // WG
H_PER_W = H * NWG // NW
GROWS = WG * D
OUT_ROWS = B * H * W * D

COL_OFFS = (0, 16, 28)
ROW_OFFS = (44, 60, 72)
DEP_OFFS = (88, 104, 112)
RUN = 4


def _body(tbl_hbm, out_hbm, tbl_v, buf0, buf1, sem0, sem1):
    cid = lax.axis_index("c")
    sid = lax.axis_index("s")
    wid = sid * NC + cid

    pltpu.sync_copy(tbl_hbm, tbl_v)
    lanes = lax.broadcasted_iota(jnp.int32, (L,), 0)

    wg = lax.rem(wid, NWG)
    w0 = wg * WG
    h0 = (wid // NWG) * H_PER_W

    def static_init(buf):
        def sub_init(sub, carry):
            w_row = jnp.full((L,), w0 + sub, jnp.int32)
            cvs = [plsc.load_gather(tbl_v, [w_row, a + lanes]) for a in COL_OFFS]

            def crow(rr, inner):
                r = sub * D + rr
                for a, v in zip(COL_OFFS, cvs):
                    buf[r, pl.ds(a, L)] = v
                return inner

            lax.fori_loop(0, D, crow, 0)
            return carry

        lax.fori_loop(0, WG, sub_init, 0)

        def dinit(r, carry):
            d_row = jnp.full((L,), 100 + lax.rem(r, D), jnp.int32)
            for a in DEP_OFFS:
                buf[r, pl.ds(a, L)] = plsc.load_gather(tbl_v, [d_row, (a - 88) + lanes])
            return carry

        lax.fori_loop(0, GROWS, dinit, 0)

    static_init(buf0)

    bufs = (buf0, buf1)
    sems = (sem0, sem1)

    for i in range(H_PER_W):
        buf = bufs[i % 2]
        sem = sems[i % 2]
        if i == 1:
            static_init(buf1)
        if i >= 2:
            pltpu.make_async_copy(out_hbm.at[pl.ds(0, GROWS)], buf, sem).wait()
            pltpu.make_async_copy(out_hbm.at[pl.ds(0, GROWS)], buf, sem).wait()

        h = h0 + i
        h_row = jnp.full((L,), 50 + h, jnp.int32)
        rvs = [plsc.load_gather(tbl_v, [h_row, (a - C) + lanes]) for a in ROW_OFFS]

        def fill(g, carry):
            for u in range(RUN):
                r = g * RUN + u
                for a, v in zip(ROW_OFFS, rvs):
                    buf[r, pl.ds(a, L)] = v
            return carry

        lax.fori_loop(0, GROWS // RUN, fill, 0)

        base = (h * W + w0) * D
        pltpu.make_async_copy(buf, out_hbm.at[pl.ds(base, GROWS)], sem).start()
        pltpu.make_async_copy(buf, out_hbm.at[pl.ds(H * W * D + base, GROWS)], sem).start()

    for i in (H_PER_W - 2, H_PER_W - 1):
        buf = bufs[i % 2]
        sem = sems[i % 2]
        pltpu.make_async_copy(out_hbm.at[pl.ds(0, GROWS)], buf, sem).wait()
        pltpu.make_async_copy(out_hbm.at[pl.ds(0, GROWS)], buf, sem).wait()


@jax.jit
def _pos_embed(tbl):
    mesh = plsc.VectorSubcoreMesh(core_axis_name="c", subcore_axis_name="s")
    f = pl.kernel(
        _body,
        out_type=jax.ShapeDtypeStruct((OUT_ROWS, CH), jnp.float32),
        mesh=mesh,
        compiler_params=pltpu.CompilerParams(needs_layout_passes=False),
        scratch_types=[
            pltpu.VMEM((160, CH), jnp.float32),
            pltpu.VMEM((GROWS, CH), jnp.float32),
            pltpu.VMEM((GROWS, CH), jnp.float32),
            pltpu.SemaphoreType.DMA,
            pltpu.SemaphoreType.DMA,
        ],
    )
    out = f(tbl)
    return out.reshape(B, H, W, D, CH).transpose(0, 4, 1, 2, 3)


def kernel(x, row_embed, col_embed, depth_embed):
    tbl = jnp.pad(jnp.concatenate([col_embed, row_embed, depth_embed], axis=0),
                  ((0, 10), (0, CH - C)))
    return _pos_embed(tbl)

# --- scband reference (transcript-rebuilt; emitter-appended) ---
"""Pipeline reference for scband-position-embedding-learned3-d-75170517615230 (READ-ONLY COPY).

The authoritative reference and input builder live on the scoring server;
editing this copy changes nothing except your own understanding.
"""

import jax, jax.numpy as jnp
import numpy as np

ORIG_CHANNELS = 128
EMB_C = int(np.ceil(ORIG_CHANNELS / 6) * 2)  # 44


def setup_inputs(seed: int = 0) -> dict:
    key = jax.random.key(seed)
    k1, k2, k3, k4 = jax.random.split(key, 4)
    x = jax.random.normal(k1, (2, 128, 40, 40, 40), dtype=jnp.float32)
    row_embed = jax.random.uniform(k2, (50, EMB_C), dtype=jnp.float32)
    col_embed = jax.random.uniform(k3, (50, EMB_C), dtype=jnp.float32)
    depth_embed = jax.random.uniform(k4, (50, EMB_C), dtype=jnp.float32)
    return {"x": x, "row_embed": row_embed, "col_embed": col_embed, "depth_embed": depth_embed}


def reference(x, row_embed, col_embed, depth_embed):
    h, w, d = x.shape[-3], x.shape[-2], x.shape[-1]
    i = jnp.arange(w)
    j = jnp.arange(h)
    k = jnp.arange(d)
    x_emb = jnp.take(col_embed, i, axis=0)    # [w, c]
    y_emb = jnp.take(row_embed, j, axis=0)    # [h, c]
    z_emb = jnp.take(depth_embed, k, axis=0)  # [d, c]
    xe = jnp.tile(x_emb[None, :, None, :], (h, 1, d, 1))  # [h, w, d, c]
    ye = jnp.tile(y_emb[:, None, None, :], (1, w, d, 1))  # [h, w, d, c]
    ze = jnp.tile(z_emb[None, None, :, :], (h, w, 1, 1))  # [h, w, d, c]
    pos = jnp.concatenate([xe, ye, ze], axis=-1)          # [h, w, d, 3c]
    pos = jnp.transpose(pos, (3, 0, 1, 2))[None]          # [1, 3c, h, w, d]
    pos = jnp.tile(pos, (x.shape[0], 1, 1, 1, 1))         # [B, 3c, h, w, d]
    return pos[:, :ORIG_CHANNELS]

if __name__ == "__main__":
    import jax
    _d = setup_inputs()
    print(jax.jit(kernel)(*tuple(_d.values())))

</pallas_src>

<mosaic_0001>
#map = affine_map<(d0, d1) -> (0, 0)>
module attributes {stable_mosaic.version = 14 : i64} {
  func.func @_body(%arg0: i32, %arg1: i32, %arg2: memref<160x128xf32, #tpu.memory_space<hbm>>, %arg3: memref<128000x128xf32, #tpu.memory_space<hbm>>, %arg4: memref<160x128xf32, #tpu.memory_space<vmem>>, %arg5: memref<200x128xf32, #tpu.memory_space<vmem>>, %arg6: memref<200x128xf32, #tpu.memory_space<vmem>>, %arg7: memref<!tpu.dma_semaphore, #tpu.memory_space<semaphore_mem>>, %arg8: memref<!tpu.dma_semaphore, #tpu.memory_space<semaphore_mem>>) attributes {dimension_semantics = [#tpu.dimension_semantics<core_parallel>, #tpu.dimension_semantics<subcore_parallel>], iteration_bounds = array<i64: 2, 16>, scalar_prefetch = 0 : i64, scratch_operands = 5 : i64, tpu.core_type = #tpu.core_type<sc_vector_subcore>, window_params = [{transform_indices = #map}, {transform_indices = #map}]} {
    %mul3A = arith.constant 2 : i32
    %mul3A_0 = arith.muli %arg1, %mul3A : i32
    %add3A = arith.addi %mul3A_0, %arg0 : i32
    "tpu.region"() ({
      %run_scoped3A = tpu.sem_alloc : memref<!tpu.dma_semaphore, #tpu.memory_space<semaphore_mem>>
      tpu.enqueue_dma source(%arg2 : memref<160x128xf32, #tpu.memory_space<hbm>>) target(%arg4 : memref<160x128xf32, #tpu.memory_space<vmem>>) target_semaphore(%run_scoped3A : memref<!tpu.dma_semaphore, #tpu.memory_space<semaphore_mem>>)
      tpu.wait_dma2 semaphore(%run_scoped3A : memref<!tpu.dma_semaphore, #tpu.memory_space<semaphore_mem>>) src(%arg2 : memref<160x128xf32, #tpu.memory_space<hbm>>) dst(%arg4 : memref<160x128xf32, #tpu.memory_space<vmem>>)
      tpu.yield
    }) : () -> ()
    %iota3A = tpu.iota {dimensions = array<i32: 0>} : vector<16xi32>
    %rem3A = arith.constant 8 : i32
    %rem3A_1 = arith.remsi %add3A, %rem3A : i32
    %mul3A_2 = arith.constant 5 : i32
    %mul3A_3 = arith.muli %rem3A_1, %mul3A_2 : i32
    %jit3A = arith.constant 8 : i32
    %div3A = arith.divsi %add3A, %jit3A : i32
    %sign3A = arith.constant 0 : i32
    %sign3A_4 = arith.cmpi sgt, %add3A, %sign3A : i32
    %sign3A_5 = arith.extui %sign3A_4 : i1 to i32
    %sign3A_6 = arith.constant 0 : i32
    %sign3A_7 = arith.cmpi slt, %add3A, %sign3A_6 : i32
    %sign3A_8 = arith.extui %sign3A_7 : i1 to i32
    %sign3A_9 = arith.subi %sign3A_5, %sign3A_8 : i32
    %sign3A_10 = arith.constant 0 : i32
    %sign3A_11 = arith.cmpi sgt, %jit3A, %sign3A_10 : i32
    %sign3A_12 = arith.extui %sign3A_11 : i1 to i32
    %sign3A_13 = arith.constant 0 : i32
    %sign3A_14 = arith.cmpi slt, %jit3A, %sign3A_13 : i32
    %sign3A_15 = arith.extui %sign3A_14 : i1 to i32
    %sign3A_16 = arith.subi %sign3A_12, %sign3A_15 : i32
    %ne3A = arith.cmpi ne, %sign3A_9, %sign3A_16 : i32
    %rem3A_17 = arith.remsi %add3A, %jit3A : i32
    %ne3A_18 = arith.constant 0 : i32
    %ne3A_19 = arith.cmpi ne, %rem3A_17, %ne3A_18 : i32
    %and3A = arith.andi %ne3A, %ne3A_19 : i1
    %sub3A = arith.constant 1 : i32
    %sub3A_20 = arith.subi %div3A, %sub3A : i32
    %select_n3A = arith.select %and3A, %sub3A_20, %div3A : i32
    %mul3A_21 = arith.constant 10 : i32
    %mul3A_22 = arith.muli %select_n3A, %mul3A_21 : i32
    %scan3A = arith.constant 0 : i32
    %scan3A_23 = arith.constant 0 : i32
    %scan3A_24 = arith.constant 5 : i32
    %scan3A_25 = arith.addi %scan3A_23, %scan3A_24 : i32
    %scan3A_26 = arith.constant 1 : i32
    scf.for %scan3A_542 = %scan3A_23 to %scan3A_25 step %scan3A_26  : i32 {
      %add3A_543 = arith.addi %mul3A_3, %scan3A_542 : i32
      %broadcast_in_dim3A_544 = vector.broadcast %add3A_543 : i32 to vector<16xi32>
      %add3A_545 = arith.constant 0 : i32
      %add3A_546 = vector.broadcast %add3A_545 : i32 to vector<16xi32>
      %add3A_547 = arith.addi %add3A_546, %iota3A : vector<16xi32>
      %gather3A_548 = tpu.vector_load_idx %arg4[%broadcast_in_dim3A_544, %add3A_547] : memref<160x128xf32, #tpu.memory_space<vmem>>[vector<16xi32>, vector<16xi32>], vector<16xf32>,
      %add3A_549 = arith.constant 16 : i32
      %add3A_550 = vector.broadcast %add3A_549 : i32 to vector<16xi32>
      %add3A_551 = arith.addi %add3A_550, %iota3A : vector<16xi32>
      %gather3A_552 = tpu.vector_load_idx %arg4[%broadcast_in_dim3A_544, %add3A_551] : memref<160x128xf32, #tpu.memory_space<vmem>>[vector<16xi32>, vector<16xi32>], vector<16xf32>,
      %add3A_553 = arith.constant 28 : i32
      %add3A_554 = vector.broadcast %add3A_553 : i32 to vector<16xi32>
      %add3A_555 = arith.addi %add3A_554, %iota3A : vector<16xi32>
      %gather3A_556 = tpu.vector_load_idx %arg4[%broadcast_in_dim3A_544, %add3A_555] : memref<160x128xf32, #tpu.memory_space<vmem>>[vector<16xi32>, vector<16xi32>], vector<16xf32>,
      %scan3A_557 = arith.constant 0 : i32
      %scan3A_558 = arith.constant 0 : i32
      %scan3A_559 = arith.constant 40 : i32
      %scan3A_560 = arith.addi %scan3A_558, %scan3A_559 : i32
      %scan3A_561 = arith.constant 1 : i32
      scf.for %scan3A_563 = %scan3A_558 to %scan3A_560 step %scan3A_561  : i32 {
        %mul3A_564 = arith.constant 40 : i32
        %mul3A_565 = arith.muli %scan3A_542, %mul3A_564 : i32
        %add3A_566 = arith.addi %mul3A_565, %scan3A_563 : i32
        %swap3A = arith.index_cast %add3A_566 : i32 to index
        %swap3A_567 = arith.constant 0 : index
        %swap3A_568 = tpu.vector_load %arg5[%swap3A, %swap3A_567] {strides = array<i32>} : memref<200x128xf32, #tpu.memory_space<vmem>>, vector<16xf32>,
        tpu.vector_store %arg5[%swap3A, %swap3A_567], %gather3A_548 {strides = array<i32>} : memref<200x128xf32, #tpu.memory_space<vmem>>, vector<16xf32>,
        %swap3A_569 = arith.index_cast %add3A_566 : i32 to index
        %swap3A_570 = arith.constant 16 : index
        %swap3A_571 = tpu.vector_load %arg5[%swap3A_569, %swap3A_570] {strides = array<i32>} : memref<200x128xf32, #tpu.memory_space<vmem>>, vector<16xf32>,
        tpu.vector_store %arg5[%swap3A_569, %swap3A_570], %gather3A_552 {strides = array<i32>} : memref<200x128xf32, #tpu.memory_space<vmem>>, vector<16xf32>,
        %swap3A_572 = arith.index_cast %add3A_566 : i32 to index
        %swap3A_573 = arith.constant 28 : index
        %swap3A_574 = tpu.vector_load %arg5[%swap3A_572, %swap3A_573] {strides = array<i32>} : memref<200x128xf32, #tpu.memory_space<vmem>>, vector<16xf32>,
        tpu.vector_store %arg5[%swap3A_572, %swap3A_573], %gather3A_556 {strides = array<i32>} : memref<200x128xf32, #tpu.memory_space<vmem>>, vector<16xf32>,
      }
      %scan3A_562 = arith.constant 40 : i32
    }
    %scan3A_27 = arith.constant 5 : i32
    %scan3A_28 = arith.constant 0 : i32
    %scan3A_29 = arith.constant 0 : i32
    %scan3A_30 = arith.constant 200 : i32
    %scan3A_31 = arith.addi %scan3A_29, %scan3A_30 : i32
    %scan3A_32 = arith.constant 1 : i32
    scf.for %scan3A_542 = %scan3A_29 to %scan3A_31 step %scan3A_32  : i32 {
      %rem3A_543 = arith.constant 40 : i32
      %rem3A_544 = arith.remsi %scan3A_542, %rem3A_543 : i32
      %add3A_545 = arith.constant 100 : i32
      %add3A_546 = arith.addi %add3A_545, %rem3A_544 : i32
      %broadcast_in_dim3A_547 = vector.broadcast %add3A_546 : i32 to vector<16xi32>
      %add3A_548 = arith.constant 0 : i32
      %add3A_549 = vector.broadcast %add3A_548 : i32 to vector<16xi32>
      %add3A_550 = arith.addi %add3A_549, %iota3A : vector<16xi32>
      %gather3A_551 = tpu.vector_load_idx %arg4[%broadcast_in_dim3A_547, %add3A_550] : memref<160x128xf32, #tpu.memory_space<vmem>>[vector<16xi32>, vector<16xi32>], vector<16xf32>,
      %swap3A = arith.index_cast %scan3A_542 : i32 to index
      %swap3A_552 = arith.constant 88 : index
      %swap3A_553 = tpu.vector_load %arg5[%swap3A, %swap3A_552] {strides = array<i32>} : memref<200x128xf32, #tpu.memory_space<vmem>>, vector<16xf32>,
      tpu.vector_store %arg5[%swap3A, %swap3A_552], %gather3A_551 {strides = array<i32>} : memref<200x128xf32, #tpu.memory_space<vmem>>, vector<16xf32>,
      %add3A_554 = arith.constant 16 : i32
      %add3A_555 = vector.broadcast %add3A_554 : i32 to vector<16xi32>
      %add3A_556 = arith.addi %add3A_555, %iota3A : vector<16xi32>
      %gather3A_557 = tpu.vector_load_idx %arg4[%broadcast_in_dim3A_547, %add3A_556] : memref<160x128xf32, #tpu.memory_space<vmem>>[vector<16xi32>, vector<16xi32>], vector<16xf32>,
      %swap3A_558 = arith.index_cast %scan3A_542 : i32 to index
      %swap3A_559 = arith.constant 104 : index
      %swap3A_560 = tpu.vector_load %arg5[%swap3A_558, %swap3A_559] {strides = array<i32>} : memref<200x128xf32, #tpu.memory_space<vmem>>, vector<16xf32>,
      tpu.vector_store %arg5[%swap3A_558, %swap3A_559], %gather3A_557 {strides = array<i32>} : memref<200x128xf32, #tpu.memory_space<vmem>>, vector<16xf32>,
      %add3A_561 = arith.constant 24 : i32
      %add3A_562 = vector.broadcast %add3A_561 : i32 to vector<16xi32>
      %add3A_563 = arith.addi %add3A_562, %iota3A : vector<16xi32>
      %gather3A_564 = tpu.vector_load_idx %arg4[%broadcast_in_dim3A_547, %add3A_563] : memref<160x128xf32, #tpu.memory_space<vmem>>[vector<16xi32>, vector<16xi32>], vector<16xf32>,
      %swap3A_565 = arith.index_cast %scan3A_542 : i32 to index
      %swap3A_566 = arith.constant 112 : index
      %swap3A_567 = tpu.vector_load %arg5[%swap3A_565, %swap3A_566] {strides = array<i32>} : memref<200x128xf32, #tpu.memory_space<vmem>>, vector<16xf32>,
      tpu.vector_store %arg5[%swap3A_565, %swap3A_566], %gather3A_564 {strides = array<i32>} : memref<200x128xf32, #tpu.memory_space<vmem>>, vector<16xf32>,
    }
    %scan3A_33 = arith.constant 200 : i32
    %add3A_34 = arith.constant 0 : i32
    %add3A_35 = arith.addi %mul3A_22, %add3A_34 : i32
    %add3A_36 = arith.constant 50 : i32
    %add3A_37 = arith.addi %add3A_36, %add3A_35 : i32
    %broadcast_in_dim3A = vector.broadcast %add3A_37 : i32 to vector<16xi32>
    %add3A_38 = arith.constant 0 : i32
    %add3A_39 = vector.broadcast %add3A_38 : i32 to vector<16xi32>
    %add3A_40 = arith.addi %add3A_39, %iota3A : vector<16xi32>
    %gather3A = tpu.vector_load_idx %arg4[%broadcast_in_dim3A, %add3A_40] : memref<160x128xf32, #tpu.memory_space<vmem>>[vector<16xi32>, vector<16xi32>], vector<16xf32>,
    %add3A_41 = arith.constant 16 : i32
    %add3A_42 = vector.broadcast %add3A_41 : i32 to vector<16xi32>
    %add3A_43 = arith.addi %add3A_42, %iota3A : vector<16xi32>
    %gather3A_44 = tpu.vector_load_idx %arg4[%broadcast_in_dim3A, %add3A_43] : memref<160x128xf32, #tpu.memory_space<vmem>>[vector<16xi32>, vector<16xi32>], vector<16xf32>,
    %add3A_45 = arith.constant 28 : i32
    %add3A_46 = vector.broadcast %add3A_45 : i32 to vector<16xi32>
    %add3A_47 = arith.addi %add3A_46, %iota3A : vector<16xi32>
    %gather3A_48 = tpu.vector_load_idx %arg4[%broadcast_in_dim3A, %add3A_47] : memref<160x128xf32, #tpu.memory_space<vmem>>[vector<16xi32>, vector<16xi32>], vector<16xf32>,
    %scan3A_49 = arith.constant 0 : i32
    %scan3A_50 = arith.constant 0 : i32
    %scan3A_51 = arith.constant 50 : i32
    %scan3A_52 = arith.addi %scan3A_50, %scan3A_51 : i32
    %scan3A_53 = arith.constant 1 : i32
    scf.for %scan3A_542 = %scan3A_50 to %scan3A_52 step %scan3A_53  : i32 {
      %mul3A_543 = arith.constant 4 : i32
      %mul3A_544 = arith.muli %scan3A_542, %mul3A_543 : i32
      %add3A_545 = arith.constant 0 : i32
      %add3A_546 = arith.addi %mul3A_544, %add3A_545 : i32
      %swap3A = arith.index_cast %add3A_546 : i32 to index
      %swap3A_547 = arith.constant 44 : index
      %swap3A_548 = tpu.vector_load %arg5[%swap3A, %swap3A_547] {strides = array<i32>} : memref<200x128xf32, #tpu.memory_space<vmem>>, vector<16xf32>,
      tpu.vector_store %arg5[%swap3A, %swap3A_547], %gather3A {strides = array<i32>} : memref<200x128xf32, #tpu.memory_space<vmem>>, vector<16xf32>,
      %swap3A_549 = arith.index_cast %add3A_546 : i32 to index
      %swap3A_550 = arith.constant 60 : index
      %swap3A_551 = tpu.vector_load %arg5[%swap3A_549, %swap3A_550] {strides = array<i32>} : memref<200x128xf32, #tpu.memory_space<vmem>>, vector<16xf32>,
      tpu.vector_store %arg5[%swap3A_549, %swap3A_550], %gather3A_44 {strides = array<i32>} : memref<200x128xf32, #tpu.memory_space<vmem>>, vector<16xf32>,
      %swap3A_552 = arith.index_cast %add3A_546 : i32 to index
      %swap3A_553 = arith.constant 72 : index
      %swap3A_554 = tpu.vector_load %arg5[%swap3A_552, %swap3A_553] {strides = array<i32>} : memref<200x128xf32, #tpu.memory_space<vmem>>, vector<16xf32>,
      tpu.vector_store %arg5[%swap3A_552, %swap3A_553], %gather3A_48 {strides = array<i32>} : memref<200x128xf32, #tpu.memory_space<vmem>>, vector<16xf32>,
      %mul3A_555 = arith.constant 4 : i32
      %mul3A_556 = arith.muli %scan3A_542, %mul3A_555 : i32
      %add3A_557 = arith.constant 1 : i32
      %add3A_558 = arith.addi %mul3A_556, %add3A_557 : i32
      %swap3A_559 = arith.index_cast %add3A_558 : i32 to index
      %swap3A_560 = arith.constant 44 : index
      %swap3A_561 = tpu.vector_load %arg5[%swap3A_559, %swap3A_560] {strides = array<i32>} : memref<200x128xf32, #tpu.memory_space<vmem>>, vector<16xf32>,
      tpu.vector_store %arg5[%swap3A_559, %swap3A_560], %gather3A {strides = array<i32>} : memref<200x128xf32, #tpu.memory_space<vmem>>, vector<16xf32>,
      %swap3A_562 = arith.index_cast %add3A_558 : i32 to index
      %swap3A_563 = arith.constant 60 : index
      %swap3A_564 = tpu.vector_load %arg5[%swap3A_562, %swap3A_563] {strides = array<i32>} : memref<200x128xf32, #tpu.memory_space<vmem>>, vector<16xf32>,
      tpu.vector_store %arg5[%swap3A_562, %swap3A_563], %gather3A_44 {strides = array<i32>} : memref<200x128xf32, #tpu.memory_space<vmem>>, vector<16xf32>,
      %swap3A_565 = arith.index_cast %add3A_558 : i32 to index
      %swap3A_566 = arith.constant 72 : index
      %swap3A_567 = tpu.vector_load %arg5[%swap3A_565, %swap3A_566] {strides = array<i32>} : memref<200x128xf32, #tpu.memory_space<vmem>>, vector<16xf32>,
      tpu.vector_store %arg5[%swap3A_565, %swap3A_566], %gather3A_48 {strides = array<i32>} : memref<200x128xf32, #tpu.memory_space<vmem>>, vector<16xf32>,
      %mul3A_568 = arith.constant 4 : i32
      %mul3A_569 = arith.muli %scan3A_542, %mul3A_568 : i32
      %add3A_570 = arith.constant 2 : i32
      %add3A_571 = arith.addi %mul3A_569, %add3A_570 : i32
      %swap3A_572 = arith.index_cast %add3A_571 : i32 to index
      %swap3A_573 = arith.constant 44 : index
      %swap3A_574 = tpu.vector_load %arg5[%swap3A_572, %swap3A_573] {strides = array<i32>} : memref<200x128xf32, #tpu.memory_space<vmem>>, vector<16xf32>,
      tpu.vector_store %arg5[%swap3A_572, %swap3A_573], %gather3A {strides = array<i32>} : memref<200x128xf32, #tpu.memory_space<vmem>>, vector<16xf32>,
      %swap3A_575 = arith.index_cast %add3A_571 : i32 to index
      %swap3A_576 = arith.constant 60 : index
      %swap3A_577 = tpu.vector_load %arg5[%swap3A_575, %swap3A_576] {strides = array<i32>} : memref<200x128xf32, #tpu.memory_space<vmem>>, vector<16xf32>,
      tpu.vector_store %arg5[%swap3A_575, %swap3A_576], %gather3A_44 {strides = array<i32>} : memref<200x128xf32, #tpu.memory_space<vmem>>, vector<16xf32>,
      %swap3A_578 = arith.index_cast %add3A_571 : i32 to index
      %swap3A_579 = arith.constant 72 : index
      %swap3A_580 = tpu.vector_load %arg5[%swap3A_578, %swap3A_579] {strides = array<i32>} : memref<200x128xf32, #tpu.memory_space<vmem>>, vector<16xf32>,
      tpu.vector_store %arg5[%swap3A_578, %swap3A_579], %gather3A_48 {strides = array<i32>} : memref<200x128xf32, #tpu.memory_space<vmem>>, vector<16xf32>,
      %mul3A_581 = arith.constant 4 : i32
      %mul3A_582 = arith.muli %scan3A_542, %mul3A_581 : i32
      %add3A_583 = arith.constant 3 : i32
      %add3A_584 = arith.addi %mul3A_582, %add3A_583 : i32
      %swap3A_585 = arith.index_cast %add3A_584 : i32 to index
      %swap3A_586 = arith.constant 44 : index
      %swap3A_587 = tpu.vector_load %arg5[%swap3A_585, %swap3A_586] {strides = array<i32>} : memref<200x128xf32, #tpu.memory_space<vmem>>, vector<16xf32>,
      tpu.vector_store %arg5[%swap3A_585, %swap3A_586], %gather3A {strides = array<i32>} : memref<200x128xf32, #tpu.memory_space<vmem>>, vector<16xf32>,
      %swap3A_588 = arith.index_cast %add3A_584 : i32 to index
      %swap3A_589 = arith.constant 60 : index
      %swap3A_590 = tpu.vector_load %arg5[%swap3A_588, %swap3A_589] {strides = array<i32>} : memref<200x128xf32, #tpu.memory_space<vmem>>, vector<16xf32>,
      tpu.vector_store %arg5[%swap3A_588, %swap3A_589], %gather3A_44 {strides = array<i32>} : memref<200x128xf32, #tpu.memory_space<vmem>>, vector<16xf32>,
      %swap3A_591 = arith.index_cast %add3A_584 : i32 to index
      %swap3A_592 = arith.constant 72 : index
      %swap3A_593 = tpu.vector_load %arg5[%swap3A_591, %swap3A_592] {strides = array<i32>} : memref<200x128xf32, #tpu.memory_space<vmem>>, vector<16xf32>,
      tpu.vector_store %arg5[%swap3A_591, %swap3A_592], %gather3A_48 {strides = array<i32>} : memref<200x128xf32, #tpu.memory_space<vmem>>, vector<16xf32>,
    }
    %scan3A_54 = arith.constant 50 : i32
    %mul3A_55 = arith.constant 40 : i32
    %mul3A_56 = arith.muli %add3A_35, %mul3A_55 : i32
    %add3A_57 = arith.addi %mul3A_56, %mul3A_3 : i32
    %mul3A_58 = arith.constant 40 : i32
    %mul3A_59 = arith.muli %add3A_57, %mul3A_58 : i32
    %dma_start3A = arith.constant 0 : i32
    %dma_start3A_60 = tpu.memref_slice %arg3[%mul3A_59, %dma_start3A] : memref<128000x128xf32, #tpu.memory_space<hbm>> -> memref<200x128xf32, #tpu.memory_space<hbm>>
    %dma_start3A_61 = arith.constant 0 : i32
    %dma_start3A_62 = tpu.memref_slice %arg3[%mul3A_59, %dma_start3A_61] : memref<128000x128xf32, #tpu.memory_space<hbm>> -> memref<200x128xf32, #tpu.memory_space<hbm>>
    tpu.enqueue_dma source(%arg5 : memref<200x128xf32, #tpu.memory_space<vmem>>) target(%dma_start3A_62 : memref<200x128xf32, #tpu.memory_space<hbm>>) target_semaphore(%arg7 : memref<!tpu.dma_semaphore, #tpu.memory_space<semaphore_mem>>)
    %add3A_63 = arith.constant 64000 : i32
    %add3A_64 = arith.addi %add3A_63, %mul3A_59 : i32
    %dma_start3A_65 = arith.constant 0 : i32
    %dma_start3A_66 = tpu.memref_slice %arg3[%add3A_64, %dma_start3A_65] : memref<128000x128xf32, #tpu.memory_space<hbm>> -> memref<200x128xf32, #tpu.memory_space<hbm>>
    %dma_start3A_67 = arith.constant 0 : i32
    %dma_start3A_68 = tpu.memref_slice %arg3[%add3A_64, %dma_start3A_67] : memref<128000x128xf32, #tpu.memory_space<hbm>> -> memref<200x128xf32, #tpu.memory_space<hbm>>
    tpu.enqueue_dma source(%arg5 : memref<200x128xf32, #tpu.memory_space<vmem>>) target(%dma_start3A_68 : memref<200x128xf32, #tpu.memory_space<hbm>>) target_semaphore(%arg7 : memref<!tpu.dma_semaphore, #tpu.memory_space<semaphore_mem>>)
    %scan3A_69 = arith.constant 0 : i32
    %scan3A_70 = arith.constant 0 : i32
    %scan3A_71 = arith.constant 5 : i32
    %scan3A_72 = arith.addi %scan3A_70, %scan3A_71 : i32
    %scan3A_73 = arith.constant 1 : i32
    scf.for %scan3A_542 = %scan3A_70 to %scan3A_72 step %scan3A_73  : i32 {
      %add3A_543 = arith.addi %mul3A_3, %scan3A_542 : i32
      %broadcast_in_dim3A_544 = vector.broadcast %add3A_543 : i32 to vector<16xi32>
      %add3A_545 = arith.constant 0 : i32
      %add3A_546 = vector.broadcast %add3A_545 : i32 to vector<16xi32>
      %add3A_547 = arith.addi %add3A_546, %iota3A : vector<16xi32>
      %gather3A_548 = tpu.vector_load_idx %arg4[%broadcast_in_dim3A_544, %add3A_547] : memref<160x128xf32, #tpu.memory_space<vmem>>[vector<16xi32>, vector<16xi32>], vector<16xf32>,
      %add3A_549 = arith.constant 16 : i32
      %add3A_550 = vector.broadcast %add3A_549 : i32 to vector<16xi32>
      %add3A_551 = arith.addi %add3A_550, %iota3A : vector<16xi32>
      %gather3A_552 = tpu.vector_load_idx %arg4[%broadcast_in_dim3A_544, %add3A_551] : memref<160x128xf32, #tpu.memory_space<vmem>>[vector<16xi32>, vector<16xi32>], vector<16xf32>,
      %add3A_553 = arith.constant 28 : i32
      %add3A_554 = vector.broadcast %add3A_553 : i32 to vector<16xi32>
      %add3A_555 = arith.addi %add3A_554, %iota3A : vector<16xi32>
      %gather3A_556 = tpu.vector_load_idx %arg4[%broadcast_in_dim3A_544, %add3A_555] : memref<160x128xf32, #tpu.memory_space<vmem>>[vector<16xi32>, vector<16xi32>], vector<16xf32>,
      %scan3A_557 = arith.constant 0 : i32
      %scan3A_558 = arith.constant 0 : i32
      %scan3A_559 = arith.constant 40 : i32
      %scan3A_560 = arith.addi %scan3A_558, %scan3A_559 : i32
      %scan3A_561 = arith.constant 1 : i32
      scf.for %scan3A_563 = %scan3A_558 to %scan3A_560 step %scan3A_561  : i32 {
        %mul3A_564 = arith.constant 40 : i32
        %mul3A_565 = arith.muli %scan3A_542, %mul3A_564 : i32
        %add3A_566 = arith.addi %mul3A_565, %scan3A_563 : i32
        %swap3A = arith.index_cast %add3A_566 : i32 to index
        %swap3A_567 = arith.constant 0 : index
        %swap3A_568 = tpu.vector_load %arg6[%swap3A, %swap3A_567] {strides = array<i32>} : memref<200x128xf32, #tpu.memory_space<vmem>>, vector<16xf32>,
        tpu.vector_store %arg6[%swap3A, %swap3A_567], %gather3A_548 {strides = array<i32>} : memref<200x128xf32, #tpu.memory_space<vmem>>, vector<16xf32>,
        %swap3A_569 = arith.index_cast %add3A_566 : i32 to index
        %swap3A_570 = arith.constant 16 : index
        %swap3A_571 = tpu.vector_load %arg6[%swap3A_569, %swap3A_570] {strides = array<i32>} : memref<200x128xf32, #tpu.memory_space<vmem>>, vector<16xf32>,
        tpu.vector_store %arg6[%swap3A_569, %swap3A_570], %gather3A_552 {strides = array<i32>} : memref<200x128xf32, #tpu.memory_space<vmem>>, vector<16xf32>,
        %swap3A_572 = arith.index_cast %add3A_566 : i32 to index
        %swap3A_573 = arith.constant 28 : index
        %swap3A_574 = tpu.vector_load %arg6[%swap3A_572, %swap3A_573] {strides = array<i32>} : memref<200x128xf32, #tpu.memory_space<vmem>>, vector<16xf32>,
        tpu.vector_store %arg6[%swap3A_572, %swap3A_573], %gather3A_556 {strides = array<i32>} : memref<200x128xf32, #tpu.memory_space<vmem>>, vector<16xf32>,
      }
      %scan3A_562 = arith.constant 40 : i32
    }
    %scan3A_74 = arith.constant 5 : i32
    %scan3A_75 = arith.constant 0 : i32
    %scan3A_76 = arith.constant 0 : i32
    %scan3A_77 = arith.constant 200 : i32
    %scan3A_78 = arith.addi %scan3A_76, %scan3A_77 : i32
    %scan3A_79 = arith.constant 1 : i32
    scf.for %scan3A_542 = %scan3A_76 to %scan3A_78 step %scan3A_79  : i32 {
      %rem3A_543 = arith.constant 40 : i32
      %rem3A_544 = arith.remsi %scan3A_542, %rem3A_543 : i32
      %add3A_545 = arith.constant 100 : i32
      %add3A_546 = arith.addi %add3A_545, %rem3A_544 : i32
      %broadcast_in_dim3A_547 = vector.broadcast %add3A_546 : i32 to vector<16xi32>
      %add3A_548 = arith.constant 0 : i32
      %add3A_549 = vector.broadcast %add3A_548 : i32 to vector<16xi32>
      %add3A_550 = arith.addi %add3A_549, %iota3A : vector<16xi32>
      %gather3A_551 = tpu.vector_load_idx %arg4[%broadcast_in_dim3A_547, %add3A_550] : memref<160x128xf32, #tpu.memory_space<vmem>>[vector<16xi32>, vector<16xi32>], vector<16xf32>,
      %swap3A = arith.index_cast %scan3A_542 : i32 to index
      %swap3A_552 = arith.constant 88 : index
      %swap3A_553 = tpu.vector_load %arg6[%swap3A, %swap3A_552] {strides = array<i32>} : memref<200x128xf32, #tpu.memory_space<vmem>>, vector<16xf32>,
      tpu.vector_store %arg6[%swap3A, %swap3A_552], %gather3A_551 {strides = array<i32>} : memref<200x128xf32, #tpu.memory_space<vmem>>, vector<16xf32>,
      %add3A_554 = arith.constant 16 : i32
      %add3A_555 = vector.broadcast %add3A_554 : i32 to vector<16xi32>
      %add3A_556 = arith.addi %add3A_555, %iota3A : vector<16xi32>
      %gather3A_557 = tpu.vector_load_idx %arg4[%broadcast_in_dim3A_547, %add3A_556] : memref<160x128xf32, #tpu.memory_space<vmem>>[vector<16xi32>, vector<16xi32>], vector<16xf32>,
      %swap3A_558 = arith.index_cast %scan3A_542 : i32 to index
      %swap3A_559 = arith.constant 104 : index
      %swap3A_560 = tpu.vector_load %arg6[%swap3A_558, %swap3A_559] {strides = array<i32>} : memref<200x128xf32, #tpu.memory_space<vmem>>, vector<16xf32>,
      tpu.vector_store %arg6[%swap3A_558, %swap3A_559], %gather3A_557 {strides = array<i32>} : memref<200x128xf32, #tpu.memory_space<vmem>>, vector<16xf32>,
      %add3A_561 = arith.constant 24 : i32
      %add3A_562 = vector.broadcast %add3A_561 : i32 to vector<16xi32>
      %add3A_563 = arith.addi %add3A_562, %iota3A : vector<16xi32>
      %gather3A_564 = tpu.vector_load_idx %arg4[%broadcast_in_dim3A_547, %add3A_563] : memref<160x128xf32, #tpu.memory_space<vmem>>[vector<16xi32>, vector<16xi32>], vector<16xf32>,
      %swap3A_565 = arith.index_cast %scan3A_542 : i32 to index
      %swap3A_566 = arith.constant 112 : index
      %swap3A_567 = tpu.vector_load %arg6[%swap3A_565, %swap3A_566] {strides = array<i32>} : memref<200x128xf32, #tpu.memory_space<vmem>>, vector<16xf32>,
      tpu.vector_store %arg6[%swap3A_565, %swap3A_566], %gather3A_564 {strides = array<i32>} : memref<200x128xf32, #tpu.memory_space<vmem>>, vector<16xf32>,
    }
    %scan3A_80 = arith.constant 200 : i32
    %add3A_81 = arith.constant 1 : i32
    %add3A_82 = arith.addi %mul3A_22, %add3A_81 : i32
    %add3A_83 = arith.constant 50 : i32
    %add3A_84 = arith.addi %add3A_83, %add3A_82 : i32
    %broadcast_in_dim3A_85 = vector.broadcast %add3A_84 : i32 to vector<16xi32>
    %add3A_86 = arith.constant 0 : i32
    %add3A_87 = vector.broadcast %add3A_86 : i32 to vector<16xi32>
    %add3A_88 = arith.addi %add3A_87, %iota3A : vector<16xi32>
    %gather3A_89 = tpu.vector_load_idx %arg4[%broadcast_in_dim3A_85, %add3A_88] : memref<160x128xf32, #tpu.memory_space<vmem>>[vector<16xi32>, vector<16xi32>], vector<16xf32>,
    %add3A_90 = arith.constant 16 : i32
    %add3A_91 = vector.broadcast %add3A_90 : i32 to vector<16xi32>
    %add3A_92 = arith.addi %add3A_91, %iota3A : vector<16xi32>
    %gather3A_93 = tpu.vector_load_idx %arg4[%broadcast_in_dim3A_85, %add3A_92] : memref<160x128xf32, #tpu.memory_space<vmem>>[vector<16xi32>, vector<16xi32>], vector<16xf32>,
    %add3A_94 = arith.constant 28 : i32
    %add3A_95 = vector.broadcast %add3A_94 : i32 to vector<16xi32>
    %add3A_96 = arith.addi %add3A_95, %iota3A : vector<16xi32>
    %gather3A_97 = tpu.vector_load_idx %arg4[%broadcast_in_dim3A_85, %add3A_96] : memref<160x128xf32, #tpu.memory_space<vmem>>[vector<16xi32>, vector<16xi32>], vector<16xf32>,
    %scan3A_98 = arith.constant 0 : i32
    %scan3A_99 = arith.constant 0 : i32
    %scan3A_100 = arith.constant 50 : i32
    %scan3A_101 = arith.addi %scan3A_99, %scan3A_100 : i32
    %scan3A_102 = arith.constant 1 : i32
    scf.for %scan3A_542 = %scan3A_99 to %scan3A_101 step %scan3A_102  : i32 {
      %mul3A_543 = arith.constant 4 : i32
      %mul3A_544 = arith.muli %scan3A_542, %mul3A_543 : i32
      %add3A_545 = arith.constant 0 : i32
      %add3A_546 = arith.addi %mul3A_544, %add3A_545 : i32
      %swap3A = arith.index_cast %add3A_546 : i32 to index
      %swap3A_547 = arith.constant 44 : index
      %swap3A_548 = tpu.vector_load %arg6[%swap3A, %swap3A_547] {strides = array<i32>} : memref<200x128xf32, #tpu.memory_space<vmem>>, vector<16xf32>,
      tpu.vector_store %arg6[%swap3A, %swap3A_547], %gather3A_89 {strides = array<i32>} : memref<200x128xf32, #tpu.memory_space<vmem>>, vector<16xf32>,
      %swap3A_549 = arith.index_cast %add3A_546 : i32 to index
      %swap3A_550 = arith.constant 60 : index
      %swap3A_551 = tpu.vector_load %arg6[%swap3A_549, %swap3A_550] {strides = array<i32>} : memref<200x128xf32, #tpu.memory_space<vmem>>, vector<16xf32>,
      tpu.vector_store %arg6[%swap3A_549, %swap3A_550], %gather3A_93 {strides = array<i32>} : memref<200x128xf32, #tpu.memory_space<vmem>>, vector<16xf32>,
      %swap3A_552 = arith.index_cast %add3A_546 : i32 to index
      %swap3A_553 = arith.constant 72 : index
      %swap3A_554 = tpu.vector_load %arg6[%swap3A_552, %swap3A_553] {strides = array<i32>} : memref<200x128xf32, #tpu.memory_space<vmem>>, vector<16xf32>,
      tpu.vector_store %arg6[%swap3A_552, %swap3A_553], %gather3A_97 {strides = array<i32>} : memref<200x128xf32, #tpu.memory_space<vmem>>, vector<16xf32>,
      %mul3A_555 = arith.constant 4 : i32
      %mul3A_556 = arith.muli %scan3A_542, %mul3A_555 : i32
      %add3A_557 = arith.constant 1 : i32
      %add3A_558 = arith.addi %mul3A_556, %add3A_557 : i32
      %swap3A_559 = arith.index_cast %add3A_558 : i32 to index
      %swap3A_560 = arith.constant 44 : index
      %swap3A_561 = tpu.vector_load %arg6[%swap3A_559, %swap3A_560] {strides = array<i32>} : memref<200x128xf32, #tpu.memory_space<vmem>>, vector<16xf32>,
      tpu.vector_store %arg6[%swap3A_559, %swap3A_560], %gather3A_89 {strides = array<i32>} : memref<200x128xf32, #tpu.memory_space<vmem>>, vector<16xf32>,
      %swap3A_562 = arith.index_cast %add3A_558 : i32 to index
      %swap3A_563 = arith.constant 60 : index
      %swap3A_564 = tpu.vector_load %arg6[%swap3A_562, %swap3A_563] {strides = array<i32>} : memref<200x128xf32, #tpu.memory_space<vmem>>, vector<16xf32>,
      tpu.vector_store %arg6[%swap3A_562, %swap3A_563], %gather3A_93 {strides = array<i32>} : memref<200x128xf32, #tpu.memory_space<vmem>>, vector<16xf32>,
      %swap3A_565 = arith.index_cast %add3A_558 : i32 to index
      %swap3A_566 = arith.constant 72 : index
      %swap3A_567 = tpu.vector_load %arg6[%swap3A_565, %swap3A_566] {strides = array<i32>} : memref<200x128xf32, #tpu.memory_space<vmem>>, vector<16xf32>,
      tpu.vector_store %arg6[%swap3A_565, %swap3A_566], %gather3A_97 {strides = array<i32>} : memref<200x128xf32, #tpu.memory_space<vmem>>, vector<16xf32>,
      %mul3A_568 = arith.constant 4 : i32
      %mul3A_569 = arith.muli %scan3A_542, %mul3A_568 : i32
      %add3A_570 = arith.constant 2 : i32
      %add3A_571 = arith.addi %mul3A_569, %add3A_570 : i32
      %swap3A_572 = arith.index_cast %add3A_571 : i32 to index
      %swap3A_573 = arith.constant 44 : index
      %swap3A_574 = tpu.vector_load %arg6[%swap3A_572, %swap3A_573] {strides = array<i32>} : memref<200x128xf32, #tpu.memory_space<vmem>>, vector<16xf32>,
      tpu.vector_store %arg6[%swap3A_572, %swap3A_573], %gather3A_89 {strides = array<i32>} : memref<200x128xf32, #tpu.memory_space<vmem>>, vector<16xf32>,
      %swap3A_575 = arith.index_cast %add3A_571 : i32 to index
      %swap3A_576 = arith.constant 60 : index
      %swap3A_577 = tpu.vector_load %arg6[%swap3A_575, %swap3A_576] {strides = array<i32>} : memref<200x128xf32, #tpu.memory_space<vmem>>, vector<16xf32>,
      tpu.vector_store %arg6[%swap3A_575, %swap3A_576], %gather3A_93 {strides = array<i32>} : memref<200x128xf32, #tpu.memory_space<vmem>>, vector<16xf32>,
      %swap3A_578 = arith.index_cast %add3A_571 : i32 to index
      %swap3A_579 = arith.constant 72 : index
      %swap3A_580 = tpu.vector_load %arg6[%swap3A_578, %swap3A_579] {strides = array<i32>} : memref<200x128xf32, #tpu.memory_space<vmem>>, vector<16xf32>,
      tpu.vector_store %arg6[%swap3A_578, %swap3A_579], %gather3A_97 {strides = array<i32>} : memref<200x128xf32, #tpu.memory_space<vmem>>, vector<16xf32>,
      %mul3A_581 = arith.constant 4 : i32
      %mul3A_582 = arith.muli %scan3A_542, %mul3A_581 : i32
      %add3A_583 = arith.constant 3 : i32
      %add3A_584 = arith.addi %mul3A_582, %add3A_583 : i32
      %swap3A_585 = arith.index_cast %add3A_584 : i32 to index
      %swap3A_586 = arith.constant 44 : index
      %swap3A_587 = tpu.vector_load %arg6[%swap3A_585, %swap3A_586] {strides = array<i32>} : memref<200x128xf32, #tpu.memory_space<vmem>>, vector<16xf32>,
      tpu.vector_store %arg6[%swap3A_585, %swap3A_586], %gather3A_89 {strides = array<i32>} : memref<200x128xf32, #tpu.memory_space<vmem>>, vector<16xf32>,
      %swap3A_588 = arith.index_cast %add3A_584 : i32 to index
      %swap3A_589 = arith.constant 60 : index
      %swap3A_590 = tpu.vector_load %arg6[%swap3A_588, %swap3A_589] {strides = array<i32>} : memref<200x128xf32, #tpu.memory_space<vmem>>, vector<16xf32>,
      tpu.vector_store %arg6[%swap3A_588, %swap3A_589], %gather3A_93 {strides = array<i32>} : memref<200x128xf32, #tpu.memory_space<vmem>>, vector<16xf32>,
      %swap3A_591 = arith.index_cast %add3A_584 : i32 to index
      %swap3A_592 = arith.constant 72 : index
      %swap3A_593 = tpu.vector_load %arg6[%swap3A_591, %swap3A_592] {strides = array<i32>} : memref<200x128xf32, #tpu.memory_space<vmem>>, vector<16xf32>,
      tpu.vector_store %arg6[%swap3A_591, %swap3A_592], %gather3A_97 {strides = array<i32>} : memref<200x128xf32, #tpu.memory_space<vmem>>, vector<16xf32>,
    }
    %scan3A_103 = arith.constant 50 : i32
    %mul3A_104 = arith.constant 40 : i32
    %mul3A_105 = arith.muli %add3A_82, %mul3A_104 : i32
    %add3A_106 = arith.addi %mul3A_105, %mul3A_3 : i32
    %mul3A_107 = arith.constant 40 : i32
    %mul3A_108 = arith.muli %add3A_106, %mul3A_107 : i32
    %dma_start3A_109 = arith.constant 0 : i32
    %dma_start3A_110 = tpu.memref_slice %arg3[%mul3A_108, %dma_start3A_109] : memref<128000x128xf32, #tpu.memory_space<hbm>> -> memref<200x128xf32, #tpu.memory_space<hbm>>
    %dma_start3A_111 = arith.constant 0 : i32
    %dma_start3A_112 = tpu.memref_slice %arg3[%mul3A_108, %dma_start3A_111] : memref<128000x128xf32, #tpu.memory_space<hbm>> -> memref<200x128xf32, #tpu.memory_space<hbm>>
    tpu.enqueue_dma source(%arg6 : memref<200x128xf32, #tpu.memory_space<vmem>>) target(%dma_start3A_112 : memref<200x128xf32, #tpu.memory_space<hbm>>) target_semaphore(%arg8 : memref<!tpu.dma_semaphore, #tpu.memory_space<semaphore_mem>>)
    %add3A_113 = arith.constant 64000 : i32
    %add3A_114 = arith.addi %add3A_113, %mul3A_108 : i32
    %dma_start3A_115 = arith.constant 0 : i32
    %dma_start3A_116 = tpu.memref_slice %arg3[%add3A_114, %dma_start3A_115] : memref<128000x128xf32, #tpu.memory_space<hbm>> -> memref<200x128xf32, #tpu.memory_space<hbm>>
    %dma_start3A_117 = arith.constant 0 : i32
    %dma_start3A_118 = tpu.memref_slice %arg3[%add3A_114, %dma_start3A_117] : memref<128000x128xf32, #tpu.memory_space<hbm>> -> memref<200x128xf32, #tpu.memory_space<hbm>>
    tpu.enqueue_dma source(%arg6 : memref<200x128xf32, #tpu.memory_space<vmem>>) target(%dma_start3A_118 : memref<200x128xf32, #tpu.memory_space<hbm>>) target_semaphore(%arg8 : memref<!tpu.dma_semaphore, #tpu.memory_space<semaphore_mem>>)
    %dma_wait3A = arith.constant 0 : i32
    %dma_wait3A_119 = arith.constant 0 : i32
    %dma_wait3A_120 = tpu.memref_slice %arg3[%dma_wait3A, %dma_wait3A_119] : memref<128000x128xf32, #tpu.memory_space<hbm>> -> memref<200x128xf32, #tpu.memory_space<hbm>>
    %dma_wait3A_121 = arith.constant 0 : i32
    %dma_wait3A_122 = arith.constant 0 : i32
    %dma_wait3A_123 = tpu.memref_slice %arg3[%dma_wait3A_121, %dma_wait3A_122] : memref<128000x128xf32, #tpu.memory_space<hbm>> -> memref<200x128xf32, #tpu.memory_space<hbm>>
    tpu.wait_dma2 semaphore(%arg7 : memref<!tpu.dma_semaphore, #tpu.memory_space<semaphore_mem>>) src(%dma_wait3A_123 : memref<200x128xf32, #tpu.memory_space<hbm>>) dst(%arg5 : memref<200x128xf32, #tpu.memory_space<vmem>>)
    %dma_wait3A_124 = arith.constant 0 : i32
    %dma_wait3A_125 = arith.constant 0 : i32
    %dma_wait3A_126 = tpu.memref_slice %arg3[%dma_wait3A_124, %dma_wait3A_125] : memref<128000x128xf32, #tpu.memory_space<hbm>> -> memref<200x128xf32, #tpu.memory_space<hbm>>
    %dma_wait3A_127 = arith.constant 0 : i32
    %dma_wait3A_128 = arith.constant 0 : i32
    %dma_wait3A_129 = tpu.memref_slice %arg3[%dma_wait3A_127, %dma_wait3A_128] : memref<128000x128xf32, #tpu.memory_space<hbm>> -> memref<200x128xf32, #tpu.memory_space<hbm>>
    tpu.wait_dma2 semaphore(%arg7 : memref<!tpu.dma_semaphore, #tpu.memory_space<semaphore_mem>>) src(%dma_wait3A_129 : memref<200x128xf32, #tpu.memory_space<hbm>>) dst(%arg5 : memref<200x128xf32, #tpu.memory_space<vmem>>)
    %add3A_130 = arith.constant 2 : i32
    %add3A_131 = arith.addi %mul3A_22, %add3A_130 : i32
    %add3A_132 = arith.constant 50 : i32
    %add3A_133 = arith.addi %add3A_132, %add3A_131 : i32
    %broadcast_in_dim3A_134 = vector.broadcast %add3A_133 : i32 to vector<16xi32>
    %add3A_135 = arith.constant 0 : i32
    %add3A_136 = vector.broadcast %add3A_135 : i32 to vector<16xi32>
    %add3A_137 = arith.addi %add3A_136, %iota3A : vector<16xi32>
    %gather3A_138 = tpu.vector_load_idx %arg4[%broadcast_in_dim3A_134, %add3A_137] : memref<160x128xf32, #tpu.memory_space<vmem>>[vector<16xi32>, vector<16xi32>], vector<16xf32>,
    %add3A_139 = arith.constant 16 : i32
    %add3A_140 = vector.broadcast %add3A_139 : i32 to vector<16xi32>
    %add3A_141 = arith.addi %add3A_140, %iota3A : vector<16xi32>
    %gather3A_142 = tpu.vector_load_idx %arg4[%broadcast_in_dim3A_134, %add3A_141] : memref<160x128xf32, #tpu.memory_space<vmem>>[vector<16xi32>, vector<16xi32>], vector<16xf32>,
    %add3A_143 = arith.constant 28 : i32
    %add3A_144 = vector.broadcast %add3A_143 : i32 to vector<16xi32>
    %add3A_145 = arith.addi %add3A_144, %iota3A : vector<16xi32>
    %gather3A_146 = tpu.vector_load_idx %arg4[%broadcast_in_dim3A_134, %add3A_145] : memref<160x128xf32, #tpu.memory_space<vmem>>[vector<16xi32>, vector<16xi32>], vector<16xf32>,
    %scan3A_147 = arith.constant 0 : i32
    %scan3A_148 = arith.constant 0 : i32
    %scan3A_149 = arith.constant 50 : i32
    %scan3A_150 = arith.addi %scan3A_148, %scan3A_149 : i32
    %scan3A_151 = arith.constant 1 : i32
    scf.for %scan3A_542 = %scan3A_148 to %scan3A_150 step %scan3A_151  : i32 {
      %mul3A_543 = arith.constant 4 : i32
      %mul3A_544 = arith.muli %scan3A_542, %mul3A_543 : i32
      %add3A_545 = arith.constant 0 : i32
      %add3A_546 = arith.addi %mul3A_544, %add3A_545 : i32
      %swap3A = arith.index_cast %add3A_546 : i32 to index
      %swap3A_547 = arith.constant 44 : index
      %swap3A_548 = tpu.vector_load %arg5[%swap3A, %swap3A_547] {strides = array<i32>} : memref<200x128xf32, #tpu.memory_space<vmem>>, vector<16xf32>,
      tpu.vector_store %arg5[%swap3A, %swap3A_547], %gather3A_138 {strides = array<i32>} : memref<200x128xf32, #tpu.memory_space<vmem>>, vector<16xf32>,
      %swap3A_549 = arith.index_cast %add3A_546 : i32 to index
      %swap3A_550 = arith.constant 60 : index
      %swap3A_551 = tpu.vector_load %arg5[%swap3A_549, %swap3A_550] {strides = array<i32>} : memref<200x128xf32, #tpu.memory_space<vmem>>, vector<16xf32>,
      tpu.vector_store %arg5[%swap3A_549, %swap3A_550], %gather3A_142 {strides = array<i32>} : memref<200x128xf32, #tpu.memory_space<vmem>>, vector<16xf32>,
      %swap3A_552 = arith.index_cast %add3A_546 : i32 to index
      %swap3A_553 = arith.constant 72 : index
      %swap3A_554 = tpu.vector_load %arg5[%swap3A_552, %swap3A_553] {strides = array<i32>} : memref<200x128xf32, #tpu.memory_space<vmem>>, vector<16xf32>,
      tpu.vector_store %arg5[%swap3A_552, %swap3A_553], %gather3A_146 {strides = array<i32>} : memref<200x128xf32, #tpu.memory_space<vmem>>, vector<16xf32>,
      %mul3A_555 = arith.constant 4 : i32
      %mul3A_556 = arith.muli %scan3A_542, %mul3A_555 : i32
      %add3A_557 = arith.constant 1 : i32
      %add3A_558 = arith.addi %mul3A_556, %add3A_557 : i32
      %swap3A_559 = arith.index_cast %add3A_558 : i32 to index
      %swap3A_560 = arith.constant 44 : index
      %swap3A_561 = tpu.vector_load %arg5[%swap3A_559, %swap3A_560] {strides = array<i32>} : memref<200x128xf32, #tpu.memory_space<vmem>>, vector<16xf32>,
      tpu.vector_store %arg5[%swap3A_559, %swap3A_560], %gather3A_138 {strides = array<i32>} : memref<200x128xf32, #tpu.memory_space<vmem>>, vector<16xf32>,
      %swap3A_562 = arith.index_cast %add3A_558 : i32 to index
      %swap3A_563 = arith.constant 60 : index
      %swap3A_564 = tpu.vector_load %arg5[%swap3A_562, %swap3A_563] {strides = array<i32>} : memref<200x128xf32, #tpu.memory_space<vmem>>, vector<16xf32>,
      tpu.vector_store %arg5[%swap3A_562, %swap3A_563], %gather3A_142 {strides = array<i32>} : memref<200x128xf32, #tpu.memory_space<vmem>>, vector<16xf32>,
      %swap3A_565 = arith.index_cast %add3A_558 : i32 to index
      %swap3A_566 = arith.constant 72 : index
      %swap3A_567 = tpu.vector_load %arg5[%swap3A_565, %swap3A_566] {strides = array<i32>} : memref<200x128xf32, #tpu.memory_space<vmem>>, vector<16xf32>,
      tpu.vector_store %arg5[%swap3A_565, %swap3A_566], %gather3A_146 {strides = array<i32>} : memref<200x128xf32, #tpu.memory_space<vmem>>, vector<16xf32>,
      %mul3A_568 = arith.constant 4 : i32
      %mul3A_569 = arith.muli %scan3A_542, %mul3A_568 : i32
      %add3A_570 = arith.constant 2 : i32
      %add3A_571 = arith.addi %mul3A_569, %add3A_570 : i32
      %swap3A_572 = arith.index_cast %add3A_571 : i32 to index
      %swap3A_573 = arith.constant 44 : index
      %swap3A_574 = tpu.vector_load %arg5[%swap3A_572, %swap3A_573] {strides = array<i32>} : memref<200x128xf32, #tpu.memory_space<vmem>>, vector<16xf32>,
      tpu.vector_store %arg5[%swap3A_572, %swap3A_573], %gather3A_138 {strides = array<i32>} : memref<200x128xf32, #tpu.memory_space<vmem>>, vector<16xf32>,
      %swap3A_575 = arith.index_cast %add3A_571 : i32 to index
      %swap3A_576 = arith.constant 60 : index
      %swap3A_577 = tpu.vector_load %arg5[%swap3A_575, %swap3A_576] {strides = array<i32>} : memref<200x128xf32, #tpu.memory_space<vmem>>, vector<16xf32>,
      tpu.vector_store %arg5[%swap3A_575, %swap3A_576], %gather3A_142 {strides = array<i32>} : memref<200x128xf32, #tpu.memory_space<vmem>>, vector<16xf32>,
      %swap3A_578 = arith.index_cast %add3A_571 : i32 to index
      %swap3A_579 = arith.constant 72 : index
      %swap3A_580 = tpu.vector_load %arg5[%swap3A_578, %swap3A_579] {strides = array<i32>} : memref<200x128xf32, #tpu.memory_space<vmem>>, vector<16xf32>,
      tpu.vector_store %arg5[%swap3A_578, %swap3A_579], %gather3A_146 {strides = array<i32>} : memref<200x128xf32, #tpu.memory_space<vmem>>, vector<16xf32>,
      %mul3A_581 = arith.constant 4 : i32
      %mul3A_582 = arith.muli %scan3A_542, %mul3A_581 : i32
      %add3A_583 = arith.constant 3 : i32
      %add3A_584 = arith.addi %mul3A_582, %add3A_583 : i32
      %swap3A_585 = arith.index_cast %add3A_584 : i32 to index
      %swap3A_586 = arith.constant 44 : index
      %swap3A_587 = tpu.vector_load %arg5[%swap3A_585, %swap3A_586] {strides = array<i32>} : memref<200x128xf32, #tpu.memory_space<vmem>>, vector<16xf32>,
      tpu.vector_store %arg5[%swap3A_585, %swap3A_586], %gather3A_138 {strides = array<i32>} : memref<200x128xf32, #tpu.memory_space<vmem>>, vector<16xf32>,
      %swap3A_588 = arith.index_cast %add3A_584 : i32 to index
      %swap3A_589 = arith.constant 60 : index
      %swap3A_590 = tpu.vector_load %arg5[%swap3A_588, %swap3A_589] {strides = array<i32>} : memref<200x128xf32, #tpu.memory_space<vmem>>, vector<16xf32>,
      tpu.vector_store %arg5[%swap3A_588, %swap3A_589], %gather3A_142 {strides = array<i32>} : memref<200x128xf32, #tpu.memory_space<vmem>>, vector<16xf32>,
      %swap3A_591 = arith.index_cast %add3A_584 : i32 to index
      %swap3A_592 = arith.constant 72 : index
      %swap3A_593 = tpu.vector_load %arg5[%swap3A_591, %swap3A_592] {strides = array<i32>} : memref<200x128xf32, #tpu.memory_space<vmem>>, vector<16xf32>,
      tpu.vector_store %arg5[%swap3A_591, %swap3A_592], %gather3A_146 {strides = array<i32>} : memref<200x128xf32, #tpu.memory_space<vmem>>, vector<16xf32>,
    }
    %scan3A_152 = arith.constant 50 : i32
    %mul3A_153 = arith.constant 40 : i32
    %mul3A_154 = arith.muli %add3A_131, %mul3A_153 : i32
    %add3A_155 = arith.addi %mul3A_154, %mul3A_3 : i32
    %mul3A_156 = arith.constant 40 : i32
    %mul3A_157 = arith.muli %add3A_155, %mul3A_156 : i32
    %dma_start3A_158 = arith.constant 0 : i32
    %dma_start3A_159 = tpu.memref_slice %arg3[%mul3A_157, %dma_start3A_158] : memref<128000x128xf32, #tpu.memory_space<hbm>> -> memref<200x128xf32, #tpu.memory_space<hbm>>
    %dma_start3A_160 = arith.constant 0 : i32
    %dma_start3A_161 = tpu.memref_slice %arg3[%mul3A_157, %dma_start3A_160] : memref<128000x128xf32, #tpu.memory_space<hbm>> -> memref<200x128xf32, #tpu.memory_space<hbm>>
    tpu.enqueue_dma source(%arg5 : memref<200x128xf32, #tpu.memory_space<vmem>>) target(%dma_start3A_161 : memref<200x128xf32, #tpu.memory_space<hbm>>) target_semaphore(%arg7 : memref<!tpu.dma_semaphore, #tpu.memory_space<semaphore_mem>>)
    %add3A_162 = arith.constant 64000 : i32
    %add3A_163 = arith.addi %add3A_162, %mul3A_157 : i32
    %dma_start3A_164 = arith.constant 0 : i32
    %dma_start3A_165 = tpu.memref_slice %arg3[%add3A_163, %dma_start3A_164] : memref<128000x128xf32, #tpu.memory_space<hbm>> -> memref<200x128xf32, #tpu.memory_space<hbm>>
    %dma_start3A_166 = arith.constant 0 : i32
    %dma_start3A_167 = tpu.memref_slice %arg3[%add3A_163, %dma_start3A_166] : memref<128000x128xf32, #tpu.memory_space<hbm>> -> memref<200x128xf32, #tpu.memory_space<hbm>>
    tpu.enqueue_dma source(%arg5 : memref<200x128xf32, #tpu.memory_space<vmem>>) target(%dma_start3A_167 : memref<200x128xf32, #tpu.memory_space<hbm>>) target_semaphore(%arg7 : memref<!tpu.dma_semaphore, #tpu.memory_space<semaphore_mem>>)
    %dma_wait3A_168 = arith.constant 0 : i32
    %dma_wait3A_169 = arith.constant 0 : i32
    %dma_wait3A_170 = tpu.memref_slice %arg3[%dma_wait3A_168, %dma_wait3A_169] : memref<128000x128xf32, #tpu.memory_space<hbm>> -> memref<200x128xf32, #tpu.memory_space<hbm>>
    %dma_wait3A_171 = arith.constant 0 : i32
    %dma_wait3A_172 = arith.constant 0 : i32
    %dma_wait3A_173 = tpu.memref_slice %arg3[%dma_wait3A_171, %dma_wait3A_172] : memref<128000x128xf32, #tpu.memory_space<hbm>> -> memref<200x128xf32, #tpu.memory_space<hbm>>
    tpu.wait_dma2 semaphore(%arg8 : memref<!tpu.dma_semaphore, #tpu.memory_space<semaphore_mem>>) src(%dma_wait3A_173 : memref<200x128xf32, #tpu.memory_space<hbm>>) dst(%arg6 : memref<200x128xf32, #tpu.memory_space<vmem>>)
    %dma_wait3A_174 = arith.constant 0 : i32
    %dma_wait3A_175 = arith.constant 0 : i32
    %dma_wait3A_176 = tpu.memref_slice %arg3[%dma_wait3A_174, %dma_wait3A_175] : memref<128000x128xf32, #tpu.memory_space<hbm>> -> memref<200x128xf32, #tpu.memory_space<hbm>>
    %dma_wait3A_177 = arith.constant 0 : i32
    %dma_wait3A_178 = arith.constant 0 : i32
    %dma_wait3A_179 = tpu.memref_slice %arg3[%dma_wait3A_177, %dma_wait3A_178] : memref<128000x128xf32, #tpu.memory_space<hbm>> -> memref<200x128xf32, #tpu.memory_space<hbm>>
    tpu.wait_dma2 semaphore(%arg8 : memref<!tpu.dma_semaphore, #tpu.memory_space<semaphore_mem>>) src(%dma_wait3A_179 : memref<200x128xf32, #tpu.memory_space<hbm>>) dst(%arg6 : memref<200x128xf32, #tpu.memory_space<vmem>>)
    %add3A_180 = arith.constant 3 : i32
    %add3A_181 = arith.addi %mul3A_22, %add3A_180 : i32
    %add3A_182 = arith.constant 50 : i32
    %add3A_183 = arith.addi %add3A_182, %add3A_181 : i32
    %broadcast_in_dim3A_184 = vector.broadcast %add3A_183 : i32 to vector<16xi32>
    %add3A_185 = arith.constant 0 : i32
    %add3A_186 = vector.broadcast %add3A_185 : i32 to vector<16xi32>
    %add3A_187 = arith.addi %add3A_186, %iota3A : vector<16xi32>
    %gather3A_188 = tpu.vector_load_idx %arg4[%broadcast_in_dim3A_184, %add3A_187] : memref<160x128xf32, #tpu.memory_space<vmem>>[vector<16xi32>, vector<16xi32>], vector<16xf32>,
    %add3A_189 = arith.constant 16 : i32
    %add3A_190 = vector.broadcast %add3A_189 : i32 to vector<16xi32>
    %add3A_191 = arith.addi %add3A_190, %iota3A : vector<16xi32>
    %gather3A_192 = tpu.vector_load_idx %arg4[%broadcast_in_dim3A_184, %add3A_191] : memref<160x128xf32, #tpu.memory_space<vmem>>[vector<16xi32>, vector<16xi32>], vector<16xf32>,
    %add3A_193 = arith.constant 28 : i32
    %add3A_194 = vector.broadcast %add3A_193 : i32 to vector<16xi32>
    %add3A_195 = arith.addi %add3A_194, %iota3A : vector<16xi32>
    %gather3A_196 = tpu.vector_load_idx %arg4[%broadcast_in_dim3A_184, %add3A_195] : memref<160x128xf32, #tpu.memory_space<vmem>>[vector<16xi32>, vector<16xi32>], vector<16xf32>,
    %scan3A_197 = arith.constant 0 : i32
    %scan3A_198 = arith.constant 0 : i32
    %scan3A_199 = arith.constant 50 : i32
    %scan3A_200 = arith.addi %scan3A_198, %scan3A_199 : i32
    %scan3A_201 = arith.constant 1 : i32
    scf.for %scan3A_542 = %scan3A_198 to %scan3A_200 step %scan3A_201  : i32 {
      %mul3A_543 = arith.constant 4 : i32
      %mul3A_544 = arith.muli %scan3A_542, %mul3A_543 : i32
      %add3A_545 = arith.constant 0 : i32
      %add3A_546 = arith.addi %mul3A_544, %add3A_545 : i32
      %swap3A = arith.index_cast %add3A_546 : i32 to index
      %swap3A_547 = arith.constant 44 : index
      %swap3A_548 = tpu.vector_load %arg6[%swap3A, %swap3A_547] {strides = array<i32>} : memref<200x128xf32, #tpu.memory_space<vmem>>, vector<16xf32>,
      tpu.vector_store %arg6[%swap3A, %swap3A_547], %gather3A_188 {strides = array<i32>} : memref<200x128xf32, #tpu.memory_space<vmem>>, vector<16xf32>,
      %swap3A_549 = arith.index_cast %add3A_546 : i32 to index
      %swap3A_550 = arith.constant 60 : index
      %swap3A_551 = tpu.vector_load %arg6[%swap3A_549, %swap3A_550] {strides = array<i32>} : memref<200x128xf32, #tpu.memory_space<vmem>>, vector<16xf32>,
      tpu.vector_store %arg6[%swap3A_549, %swap3A_550], %gather3A_192 {strides = array<i32>} : memref<200x128xf32, #tpu.memory_space<vmem>>, vector<16xf32>,
      %swap3A_552 = arith.index_cast %add3A_546 : i32 to index
      %swap3A_553 = arith.constant 72 : index
      %swap3A_554 = tpu.vector_load %arg6[%swap3A_552, %swap3A_553] {strides = array<i32>} : memref<200x128xf32, #tpu.memory_space<vmem>>, vector<16xf32>,
      tpu.vector_store %arg6[%swap3A_552, %swap3A_553], %gather3A_196 {strides = array<i32>} : memref<200x128xf32, #tpu.memory_space<vmem>>, vector<16xf32>,
      %mul3A_555 = arith.constant 4 : i32
      %mul3A_556 = arith.muli %scan3A_542, %mul3A_555 : i32
      %add3A_557 = arith.constant 1 : i32
      %add3A_558 = arith.addi %mul3A_556, %add3A_557 : i32
      %swap3A_559 = arith.index_cast %add3A_558 : i32 to index
      %swap3A_560 = arith.constant 44 : index
      %swap3A_561 = tpu.vector_load %arg6[%swap3A_559, %swap3A_560] {strides = array<i32>} : memref<200x128xf32, #tpu.memory_space<vmem>>, vector<16xf32>,
      tpu.vector_store %arg6[%swap3A_559, %swap3A_560], %gather3A_188 {strides = array<i32>} : memref<200x128xf32, #tpu.memory_space<vmem>>, vector<16xf32>,
      %swap3A_562 = arith.index_cast %add3A_558 : i32 to index
      %swap3A_563 = arith.constant 60 : index
      %swap3A_564 = tpu.vector_load %arg6[%swap3A_562, %swap3A_563] {strides = array<i32>} : memref<200x128xf32, #tpu.memory_space<vmem>>, vector<16xf32>,
      tpu.vector_store %arg6[%swap3A_562, %swap3A_563], %gather3A_192 {strides = array<i32>} : memref<200x128xf32, #tpu.memory_space<vmem>>, vector<16xf32>,
      %swap3A_565 = arith.index_cast %add3A_558 : i32 to index
      %swap3A_566 = arith.constant 72 : index
      %swap3A_567 = tpu.vector_load %arg6[%swap3A_565, %swap3A_566] {strides = array<i32>} : memref<200x128xf32, #tpu.memory_space<vmem>>, vector<16xf32>,
      tpu.vector_store %arg6[%swap3A_565, %swap3A_566], %gather3A_196 {strides = array<i32>} : memref<200x128xf32, #tpu.memory_space<vmem>>, vector<16xf32>,
      %mul3A_568 = arith.constant 4 : i32
      %mul3A_569 = arith.muli %scan3A_542, %mul3A_568 : i32
      %add3A_570 = arith.constant 2 : i32
      %add3A_571 = arith.addi %mul3A_569, %add3A_570 : i32
      %swap3A_572 = arith.index_cast %add3A_571 : i32 to index
      %swap3A_573 = arith.constant 44 : index
      %swap3A_574 = tpu.vector_load %arg6[%swap3A_572, %swap3A_573] {strides = array<i32>} : memref<200x128xf32, #tpu.memory_space<vmem>>, vector<16xf32>,
      tpu.vector_store %arg6[%swap3A_572, %swap3A_573], %gather3A_188 {strides = array<i32>} : memref<200x128xf32, #tpu.memory_space<vmem>>, vector<16xf32>,
      %swap3A_575 = arith.index_cast %add3A_571 : i32 to index
      %swap3A_576 = arith.constant 60 : index
      %swap3A_577 = tpu.vector_load %arg6[%swap3A_575, %swap3A_576] {strides = array<i32>} : memref<200x128xf32, #tpu.memory_space<vmem>>, vector<16xf32>,
      tpu.vector_store %arg6[%swap3A_575, %swap3A_576], %gather3A_192 {strides = array<i32>} : memref<200x128xf32, #tpu.memory_space<vmem>>, vector<16xf32>,
      %swap3A_578 = arith.index_cast %add3A_571 : i32 to index
      %swap3A_579 = arith.constant 72 : index
      %swap3A_580 = tpu.vector_load %arg6[%swap3A_578, %swap3A_579] {strides = array<i32>} : memref<200x128xf32, #tpu.memory_space<vmem>>, vector<16xf32>,
      tpu.vector_store %arg6[%swap3A_578, %swap3A_579], %gather3A_196 {strides = array<i32>} : memref<200x128xf32, #tpu.memory_space<vmem>>, vector<16xf32>,
      %mul3A_581 = arith.constant 4 : i32
      %mul3A_582 = arith.muli %scan3A_542, %mul3A_581 : i32
      %add3A_583 = arith.constant 3 : i32
      %add3A_584 = arith.addi %mul3A_582, %add3A_583 : i32
      %swap3A_585 = arith.index_cast %add3A_584 : i32 to index
      %swap3A_586 = arith.constant 44 : index
      %swap3A_587 = tpu.vector_load %arg6[%swap3A_585, %swap3A_586] {strides = array<i32>} : memref<200x128xf32, #tpu.memory_space<vmem>>, vector<16xf32>,
      tpu.vector_store %arg6[%swap3A_585, %swap3A_586], %gather3A_188 {strides = array<i32>} : memref<200x128xf32, #tpu.memory_space<vmem>>, vector<16xf32>,
      %swap3A_588 = arith.index_cast %add3A_584 : i32 to index
      %swap3A_589 = arith.constant 60 : index
      %swap3A_590 = tpu.vector_load %arg6[%swap3A_588, %swap3A_589] {strides = array<i32>} : memref<200x128xf32, #tpu.memory_space<vmem>>, vector<16xf32>,
      tpu.vector_store %arg6[%swap3A_588, %swap3A_589], %gather3A_192 {strides = array<i32>} : memref<200x128xf32, #tpu.memory_space<vmem>>, vector<16xf32>,
      %swap3A_591 = arith.index_cast %add3A_584 : i32 to index
      %swap3A_592 = arith.constant 72 : index
      %swap3A_593 = tpu.vector_load %arg6[%swap3A_591, %swap3A_592] {strides = array<i32>} : memref<200x128xf32, #tpu.memory_space<vmem>>, vector<16xf32>,
      tpu.vector_store %arg6[%swap3A_591, %swap3A_592], %gather3A_196 {strides = array<i32>} : memref<200x128xf32, #tpu.memory_space<vmem>>, vector<16xf32>,
    }
    %scan3A_202 = arith.constant 50 : i32
    %mul3A_203 = arith.constant 40 : i32
    %mul3A_204 = arith.muli %add3A_181, %mul3A_203 : i32
    %add3A_205 = arith.addi %mul3A_204, %mul3A_3 : i32
    %mul3A_206 = arith.constant 40 : i32
    %mul3A_207 = arith.muli %add3A_205, %mul3A_206 : i32
    %dma_start3A_208 = arith.constant 0 : i32
    %dma_start3A_209 = tpu.memref_slice %arg3[%mul3A_207, %dma_start3A_208] : memref<128000x128xf32, #tpu.memory_space<hbm>> -> memref<200x128xf32, #tpu.memory_space<hbm>>
    %dma_start3A_210 = arith.constant 0 : i32
    %dma_start3A_211 = tpu.memref_slice %arg3[%mul3A_207, %dma_start3A_210] : memref<128000x128xf32, #tpu.memory_space<hbm>> -> memref<200x128xf32, #tpu.memory_space<hbm>>
    tpu.enqueue_dma source(%arg6 : memref<200x128xf32, #tpu.memory_space<vmem>>) target(%dma_start3A_211 : memref<200x128xf32, #tpu.memory_space<hbm>>) target_semaphore(%arg8 : memref<!tpu.dma_semaphore, #tpu.memory_space<semaphore_mem>>)
    %add3A_212 = arith.constant 64000 : i32
    %add3A_213 = arith.addi %add3A_212, %mul3A_207 : i32
    %dma_start3A_214 = arith.constant 0 : i32
    %dma_start3A_215 = tpu.memref_slice %arg3[%add3A_213, %dma_start3A_214] : memref<128000x128xf32, #tpu.memory_space<hbm>> -> memref<200x128xf32, #tpu.memory_space<hbm>>
    %dma_start3A_216 = arith.constant 0 : i32
    %dma_start3A_217 = tpu.memref_slice %arg3[%add3A_213, %dma_start3A_216] : memref<128000x128xf32, #tpu.memory_space<hbm>> -> memref<200x128xf32, #tpu.memory_space<hbm>>
    tpu.enqueue_dma source(%arg6 : memref<200x128xf32, #tpu.memory_space<vmem>>) target(%dma_start3A_217 : memref<200x128xf32, #tpu.memory_space<hbm>>) target_semaphore(%arg8 : memref<!tpu.dma_semaphore, #tpu.memory_space<semaphore_mem>>)
    %dma_wait3A_218 = arith.constant 0 : i32
    %dma_wait3A_219 = arith.constant 0 : i32
    %dma_wait3A_220 = tpu.memref_slice %arg3[%dma_wait3A_218, %dma_wait3A_219] : memref<128000x128xf32, #tpu.memory_space<hbm>> -> memref<200x128xf32, #tpu.memory_space<hbm>>
    %dma_wait3A_221 = arith.constant 0 : i32
    %dma_wait3A_222 = arith.constant 0 : i32
    %dma_wait3A_223 = tpu.memref_slice %arg3[%dma_wait3A_221, %dma_wait3A_222] : memref<128000x128xf32, #tpu.memory_space<hbm>> -> memref<200x128xf32, #tpu.memory_space<hbm>>
    tpu.wait_dma2 semaphore(%arg7 : memref<!tpu.dma_semaphore, #tpu.memory_space<semaphore_mem>>) src(%dma_wait3A_223 : memref<200x128xf32, #tpu.memory_space<hbm>>) dst(%arg5 : memref<200x128xf32, #tpu.memory_space<vmem>>)
    %dma_wait3A_224 = arith.constant 0 : i32
    %dma_wait3A_225 = arith.constant 0 : i32
    %dma_wait3A_226 = tpu.memref_slice %arg3[%dma_wait3A_224, %dma_wait3A_225] : memref<128000x128xf32, #tpu.memory_space<hbm>> -> memref<200x128xf32, #tpu.memory_space<hbm>>
    %dma_wait3A_227 = arith.constant 0 : i32
    %dma_wait3A_228 = arith.constant 0 : i32
    %dma_wait3A_229 = tpu.memref_slice %arg3[%dma_wait3A_227, %dma_wait3A_228] : memref<128000x128xf32, #tpu.memory_space<hbm>> -> memref<200x128xf32, #tpu.memory_space<hbm>>
    tpu.wait_dma2 semaphore(%arg7 : memref<!tpu.dma_semaphore, #tpu.memory_space<semaphore_mem>>) src(%dma_wait3A_229 : memref<200x128xf32, #tpu.memory_space<hbm>>) dst(%arg5 : memref<200x128xf32, #tpu.memory_space<vmem>>)
    %add3A_230 = arith.constant 4 : i32
    %add3A_231 = arith.addi %mul3A_22, %add3A_230 : i32
    %add3A_232 = arith.constant 50 : i32
    %add3A_233 = arith.addi %add3A_232, %add3A_231 : i32
    %broadcast_in_dim3A_234 = vector.broadcast %add3A_233 : i32 to vector<16xi32>
    %add3A_235 = arith.constant 0 : i32
    %add3A_236 = vector.broadcast %add3A_235 : i32 to vector<16xi32>
    %add3A_237 = arith.addi %add3A_236, %iota3A : vector<16xi32>
    %gather3A_238 = tpu.vector_load_idx %arg4[%broadcast_in_dim3A_234, %add3A_237] : memref<160x128xf32, #tpu.memory_space<vmem>>[vector<16xi32>, vector<16xi32>], vector<16xf32>,
    %add3A_239 = arith.constant 16 : i32
    %add3A_240 = vector.broadcast %add3A_239 : i32 to vector<16xi32>
    %add3A_241 = arith.addi %add3A_240, %iota3A : vector<16xi32>
    %gather3A_242 = tpu.vector_load_idx %arg4[%broadcast_in_dim3A_234, %add3A_241] : memref<160x128xf32, #tpu.memory_space<vmem>>[vector<16xi32>, vector<16xi32>], vector<16xf32>,
    %add3A_243 = arith.constant 28 : i32
    %add3A_244 = vector.broadcast %add3A_243 : i32 to vector<16xi32>
    %add3A_245 = arith.addi %add3A_244, %iota3A : vector<16xi32>
    %gather3A_246 = tpu.vector_load_idx %arg4[%broadcast_in_dim3A_234, %add3A_245] : memref<160x128xf32, #tpu.memory_space<vmem>>[vector<16xi32>, vector<16xi32>], vector<16xf32>,
    %scan3A_247 = arith.constant 0 : i32
    %scan3A_248 = arith.constant 0 : i32
    %scan3A_249 = arith.constant 50 : i32
    %scan3A_250 = arith.addi %scan3A_248, %scan3A_249 : i32
    %scan3A_251 = arith.constant 1 : i32
    scf.for %scan3A_542 = %scan3A_248 to %scan3A_250 step %scan3A_251  : i32 {
      %mul3A_543 = arith.constant 4 : i32
      %mul3A_544 = arith.muli %scan3A_542, %mul3A_543 : i32
      %add3A_545 = arith.constant 0 : i32
      %add3A_546 = arith.addi %mul3A_544, %add3A_545 : i32
      %swap3A = arith.index_cast %add3A_546 : i32 to index
      %swap3A_547 = arith.constant 44 : index
      %swap3A_548 = tpu.vector_load %arg5[%swap3A, %swap3A_547] {strides = array<i32>} : memref<200x128xf32, #tpu.memory_space<vmem>>, vector<16xf32>,
      tpu.vector_store %arg5[%swap3A, %swap3A_547], %gather3A_238 {strides = array<i32>} : memref<200x128xf32, #tpu.memory_space<vmem>>, vector<16xf32>,
      %swap3A_549 = arith.index_cast %add3A_546 : i32 to index
      %swap3A_550 = arith.constant 60 : index
      %swap3A_551 = tpu.vector_load %arg5[%swap3A_549, %swap3A_550] {strides = array<i32>} : memref<200x128xf32, #tpu.memory_space<vmem>>, vector<16xf32>,
      tpu.vector_store %arg5[%swap3A_549, %swap3A_550], %gather3A_242 {strides = array<i32>} : memref<200x128xf32, #tpu.memory_space<vmem>>, vector<16xf32>,
      %swap3A_552 = arith.index_cast %add3A_546 : i32 to index
      %swap3A_553 = arith.constant 72 : index
      %swap3A_554 = tpu.vector_load %arg5[%swap3A_552, %swap3A_553] {strides = array<i32>} : memref<200x128xf32, #tpu.memory_space<vmem>>, vector<16xf32>,
      tpu.vector_store %arg5[%swap3A_552, %swap3A_553], %gather3A_246 {strides = array<i32>} : memref<200x128xf32, #tpu.memory_space<vmem>>, vector<16xf32>,
      %mul3A_555 = arith.constant 4 : i32
      %mul3A_556 = arith.muli %scan3A_542, %mul3A_555 : i32
      %add3A_557 = arith.constant 1 : i32
      %add3A_558 = arith.addi %mul3A_556, %add3A_557 : i32
      %swap3A_559 = arith.index_cast %add3A_558 : i32 to index
      %swap3A_560 = arith.constant 44 : index
      %swap3A_561 = tpu.vector_load %arg5[%swap3A_559, %swap3A_560] {strides = array<i32>} : memref<200x128xf32, #tpu.memory_space<vmem>>, vector<16xf32>,
      tpu.vector_store %arg5[%swap3A_559, %swap3A_560], %gather3A_238 {strides = array<i32>} : memref<200x128xf32, #tpu.memory_space<vmem>>, vector<16xf32>,
      %swap3A_562 = arith.index_cast %add3A_558 : i32 to index
      %swap3A_563 = arith.constant 60 : index
      %swap3A_564 = tpu.vector_load %arg5[%swap3A_562, %swap3A_563] {strides = array<i32>} : memref<200x128xf32, #tpu.memory_space<vmem>>, vector<16xf32>,
      tpu.vector_store %arg5[%swap3A_562, %swap3A_563], %gather3A_242 {strides = array<i32>} : memref<200x128xf32, #tpu.memory_space<vmem>>, vector<16xf32>,
      %swap3A_565 = arith.index_cast %add3A_558 : i32 to index
      %swap3A_566 = arith.constant 72 : index
      %swap3A_567 = tpu.vector_load %arg5[%swap3A_565, %swap3A_566] {strides = array<i32>} : memref<200x128xf32, #tpu.memory_space<vmem>>, vector<16xf32>,
      tpu.vector_store %arg5[%swap3A_565, %swap3A_566], %gather3A_246 {strides = array<i32>} : memref<200x128xf32, #tpu.memory_space<vmem>>, vector<16xf32>,
      %mul3A_568 = arith.constant 4 : i32
      %mul3A_569 = arith.muli %scan3A_542, %mul3A_568 : i32
      %add3A_570 = arith.constant 2 : i32
      %add3A_571 = arith.addi %mul3A_569, %add3A_570 : i32
      %swap3A_572 = arith.index_cast %add3A_571 : i32 to index
      %swap3A_573 = arith.constant 44 : index
      %swap3A_574 = tpu.vector_load %arg5[%swap3A_572, %swap3A_573] {strides = array<i32>} : memref<200x128xf32, #tpu.memory_space<vmem>>, vector<16xf32>,
      tpu.vector_store %arg5[%swap3A_572, %swap3A_573], %gather3A_238 {strides = array<i32>} : memref<200x128xf32, #tpu.memory_space<vmem>>, vector<16xf32>,
      %swap3A_575 = arith.index_cast %add3A_571 : i32 to index
      %swap3A_576 = arith.constant 60 : index
      %swap3A_577 = tpu.vector_load %arg5[%swap3A_575, %swap3A_576] {strides = array<i32>} : memref<200x128xf32, #tpu.memory_space<vmem>>, vector<16xf32>,
      tpu.vector_store %arg5[%swap3A_575, %swap3A_576], %gather3A_242 {strides = array<i32>} : memref<200x128xf32, #tpu.memory_space<vmem>>, vector<16xf32>,
      %swap3A_578 = arith.index_cast %add3A_571 : i32 to index
      %swap3A_579 = arith.constant 72 : index
      %swap3A_580 = tpu.vector_load %arg5[%swap3A_578, %swap3A_579] {strides = array<i32>} : memref<200x128xf32, #tpu.memory_space<vmem>>, vector<16xf32>,
      tpu.vector_store %arg5[%swap3A_578, %swap3A_579], %gather3A_246 {strides = array<i32>} : memref<200x128xf32, #tpu.memory_space<vmem>>, vector<16xf32>,
      %mul3A_581 = arith.constant 4 : i32
      %mul3A_582 = arith.muli %scan3A_542, %mul3A_581 : i32
      %add3A_583 = arith.constant 3 : i32
      %add3A_584 = arith.addi %mul3A_582, %add3A_583 : i32
      %swap3A_585 = arith.index_cast %add3A_584 : i32 to index
      %swap3A_586 = arith.constant 44 : index
      %swap3A_587 = tpu.vector_load %arg5[%swap3A_585, %swap3A_586] {strides = array<i32>} : memref<200x128xf32, #tpu.memory_space<vmem>>, vector<16xf32>,
      tpu.vector_store %arg5[%swap3A_585, %swap3A_586], %gather3A_238 {strides = array<i32>} : memref<200x128xf32, #tpu.memory_space<vmem>>, vector<16xf32>,
      %swap3A_588 = arith.index_cast %add3A_584 : i32 to index
      %swap3A_589 = arith.constant 60 : index
      %swap3A_590 = tpu.vector_load %arg5[%swap3A_588, %swap3A_589] {strides = array<i32>} : memref<200x128xf32, #tpu.memory_space<vmem>>, vector<16xf32>,
      tpu.vector_store %arg5[%swap3A_588, %swap3A_589], %gather3A_242 {strides = array<i32>} : memref<200x128xf32, #tpu.memory_space<vmem>>, vector<16xf32>,
      %swap3A_591 = arith.index_cast %add3A_584 : i32 to index
      %swap3A_592 = arith.constant 72 : index
      %swap3A_593 = tpu.vector_load %arg5[%swap3A_591, %swap3A_592] {strides = array<i32>} : memref<200x128xf32, #tpu.memory_space<vmem>>, vector<16xf32>,
      tpu.vector_store %arg5[%swap3A_591, %swap3A_592], %gather3A_246 {strides = array<i32>} : memref<200x128xf32, #tpu.memory_space<vmem>>, vector<16xf32>,
    }
    %scan3A_252 = arith.constant 50 : i32
    %mul3A_253 = arith.constant 40 : i32
    %mul3A_254 = arith.muli %add3A_231, %mul3A_253 : i32
    %add3A_255 = arith.addi %mul3A_254, %mul3A_3 : i32
    %mul3A_256 = arith.constant 40 : i32
    %mul3A_257 = arith.muli %add3A_255, %mul3A_256 : i32
    %dma_start3A_258 = arith.constant 0 : i32
    %dma_start3A_259 = tpu.memref_slice %arg3[%mul3A_257, %dma_start3A_258] : memref<128000x128xf32, #tpu.memory_space<hbm>> -> memref<200x128xf32, #tpu.memory_space<hbm>>
    %dma_start3A_260 = arith.constant 0 : i32
    %dma_start3A_261 = tpu.memref_slice %arg3[%mul3A_257, %dma_start3A_260] : memref<128000x128xf32, #tpu.memory_space<hbm>> -> memref<200x128xf32, #tpu.memory_space<hbm>>
    tpu.enqueue_dma source(%arg5 : memref<200x128xf32, #tpu.memory_space<vmem>>) target(%dma_start3A_261 : memref<200x128xf32, #tpu.memory_space<hbm>>) target_semaphore(%arg7 : memref<!tpu.dma_semaphore, #tpu.memory_space<semaphore_mem>>)
    %add3A_262 = arith.constant 64000 : i32
    %add3A_263 = arith.addi %add3A_262, %mul3A_257 : i32
    %dma_start3A_264 = arith.constant 0 : i32
    %dma_start3A_265 = tpu.memref_slice %arg3[%add3A_263, %dma_start3A_264] : memref<128000x128xf32, #tpu.memory_space<hbm>> -> memref<200x128xf32, #tpu.memory_space<hbm>>
    %dma_start3A_266 = arith.constant 0 : i32
    %dma_start3A_267 = tpu.memref_slice %arg3[%add3A_263, %dma_start3A_266] : memref<128000x128xf32, #tpu.memory_space<hbm>> -> memref<200x128xf32, #tpu.memory_space<hbm>>
    tpu.enqueue_dma source(%arg5 : memref<200x128xf32, #tpu.memory_space<vmem>>) target(%dma_start3A_267 : memref<200x128xf32, #tpu.memory_space<hbm>>) target_semaphore(%arg7 : memref<!tpu.dma_semaphore, #tpu.memory_space<semaphore_mem>>)
    %dma_wait3A_268 = arith.constant 0 : i32
    %dma_wait3A_269 = arith.constant 0 : i32
    %dma_wait3A_270 = tpu.memref_slice %arg3[%dma_wait3A_268, %dma_wait3A_269] : memref<128000x128xf32, #tpu.memory_space<hbm>> -> memref<200x128xf32, #tpu.memory_space<hbm>>
    %dma_wait3A_271 = arith.constant 0 : i32
    %dma_wait3A_272 = arith.constant 0 : i32
    %dma_wait3A_273 = tpu.memref_slice %arg3[%dma_wait3A_271, %dma_wait3A_272] : memref<128000x128xf32, #tpu.memory_space<hbm>> -> memref<200x128xf32, #tpu.memory_space<hbm>>
    tpu.wait_dma2 semaphore(%arg8 : memref<!tpu.dma_semaphore, #tpu.memory_space<semaphore_mem>>) src(%dma_wait3A_273 : memref<200x128xf32, #tpu.memory_space<hbm>>) dst(%arg6 : memref<200x128xf32, #tpu.memory_space<vmem>>)
    %dma_wait3A_274 = arith.constant 0 : i32
    %dma_wait3A_275 = arith.constant 0 : i32
    %dma_wait3A_276 = tpu.memref_slice %arg3[%dma_wait3A_274, %dma_wait3A_275] : memref<128000x128xf32, #tpu.memory_space<hbm>> -> memref<200x128xf32, #tpu.memory_space<hbm>>
    %dma_wait3A_277 = arith.constant 0 : i32
    %dma_wait3A_278 = arith.constant 0 : i32
    %dma_wait3A_279 = tpu.memref_slice %arg3[%dma_wait3A_277, %dma_wait3A_278] : memref<128000x128xf32, #tpu.memory_space<hbm>> -> memref<200x128xf32, #tpu.memory_space<hbm>>
    tpu.wait_dma2 semaphore(%arg8 : memref<!tpu.dma_semaphore, #tpu.memory_space<semaphore_mem>>) src(%dma_wait3A_279 : memref<200x128xf32, #tpu.memory_space<hbm>>) dst(%arg6 : memref<200x128xf32, #tpu.memory_space<vmem>>)
    %add3A_280 = arith.constant 5 : i32
    %add3A_281 = arith.addi %mul3A_22, %add3A_280 : i32
    %add3A_282 = arith.constant 50 : i32
    %add3A_283 = arith.addi %add3A_282, %add3A_281 : i32
    %broadcast_in_dim3A_284 = vector.broadcast %add3A_283 : i32 to vector<16xi32>
    %add3A_285 = arith.constant 0 : i32
    %add3A_286 = vector.broadcast %add3A_285 : i32 to vector<16xi32>
    %add3A_287 = arith.addi %add3A_286, %iota3A : vector<16xi32>
    %gather3A_288 = tpu.vector_load_idx %arg4[%broadcast_in_dim3A_284, %add3A_287] : memref<160x128xf32, #tpu.memory_space<vmem>>[vector<16xi32>, vector<16xi32>], vector<16xf32>,
    %add3A_289 = arith.constant 16 : i32
    %add3A_290 = vector.broadcast %add3A_289 : i32 to vector<16xi32>
    %add3A_291 = arith.addi %add3A_290, %iota3A : vector<16xi32>
    %gather3A_292 = tpu.vector_load_idx %arg4[%broadcast_in_dim3A_284, %add3A_291] : memref<160x128xf32, #tpu.memory_space<vmem>>[vector<16xi32>, vector<16xi32>], vector<16xf32>,
    %add3A_293 = arith.constant 28 : i32
    %add3A_294 = vector.broadcast %add3A_293 : i32 to vector<16xi32>
    %add3A_295 = arith.addi %add3A_294, %iota3A : vector<16xi32>
    %gather3A_296 = tpu.vector_load_idx %arg4[%broadcast_in_dim3A_284, %add3A_295] : memref<160x128xf32, #tpu.memory_space<vmem>>[vector<16xi32>, vector<16xi32>], vector<16xf32>,
    %scan3A_297 = arith.constant 0 : i32
    %scan3A_298 = arith.constant 0 : i32
    %scan3A_299 = arith.constant 50 : i32
    %scan3A_300 = arith.addi %scan3A_298, %scan3A_299 : i32
    %scan3A_301 = arith.constant 1 : i32
    scf.for %scan3A_542 = %scan3A_298 to %scan3A_300 step %scan3A_301  : i32 {
      %mul3A_543 = arith.constant 4 : i32
      %mul3A_544 = arith.muli %scan3A_542, %mul3A_543 : i32
      %add3A_545 = arith.constant 0 : i32
      %add3A_546 = arith.addi %mul3A_544, %add3A_545 : i32
      %swap3A = arith.index_cast %add3A_546 : i32 to index
      %swap3A_547 = arith.constant 44 : index
      %swap3A_548 = tpu.vector_load %arg6[%swap3A, %swap3A_547] {strides = array<i32>} : memref<200x128xf32, #tpu.memory_space<vmem>>, vector<16xf32>,
      tpu.vector_store %arg6[%swap3A, %swap3A_547], %gather3A_288 {strides = array<i32>} : memref<200x128xf32, #tpu.memory_space<vmem>>, vector<16xf32>,
      %swap3A_549 = arith.index_cast %add3A_546 : i32 to index
      %swap3A_550 = arith.constant 60 : index
      %swap3A_551 = tpu.vector_load %arg6[%swap3A_549, %swap3A_550] {strides = array<i32>} : memref<200x128xf32, #tpu.memory_space<vmem>>, vector<16xf32>,
      tpu.vector_store %arg6[%swap3A_549, %swap3A_550], %gather3A_292 {strides = array<i32>} : memref<200x128xf32, #tpu.memory_space<vmem>>, vector<16xf32>,
      %swap3A_552 = arith.index_cast %add3A_546 : i32 to index
      %swap3A_553 = arith.constant 72 : index
      %swap3A_554 = tpu.vector_load %arg6[%swap3A_552, %swap3A_553] {strides = array<i32>} : memref<200x128xf32, #tpu.memory_space<vmem>>, vector<16xf32>,
      tpu.vector_store %arg6[%swap3A_552, %swap3A_553], %gather3A_296 {strides = array<i32>} : memref<200x128xf32, #tpu.memory_space<vmem>>, vector<16xf32>,
      %mul3A_555 = arith.constant 4 : i32
      %mul3A_556 = arith.muli %scan3A_542, %mul3A_555 : i32
      %add3A_557 = arith.constant 1 : i32
      %add3A_558 = arith.addi %mul3A_556, %add3A_557 : i32
      %swap3A_559 = arith.index_cast %add3A_558 : i32 to index
      %swap3A_560 = arith.constant 44 : index
      %swap3A_561 = tpu.vector_load %arg6[%swap3A_559, %swap3A_560] {strides = array<i32>} : memref<200x128xf32, #tpu.memory_space<vmem>>, vector<16xf32>,
      tpu.vector_store %arg6[%swap3A_559, %swap3A_560], %gather3A_288 {strides = array<i32>} : memref<200x128xf32, #tpu.memory_space<vmem>>, vector<16xf32>,
      %swap3A_562 = arith.index_cast %add3A_558 : i32 to index
      %swap3A_563 = arith.constant 60 : index
      %swap3A_564 = tpu.vector_load %arg6[%swap3A_562, %swap3A_563] {strides = array<i32>} : memref<200x128xf32, #tpu.memory_space<vmem>>, vector<16xf32>,
      tpu.vector_store %arg6[%swap3A_562, %swap3A_563], %gather3A_292 {strides = array<i32>} : memref<200x128xf32, #tpu.memory_space<vmem>>, vector<16xf32>,
      %swap3A_565 = arith.index_cast %add3A_558 : i32 to index
      %swap3A_566 = arith.constant 72 : index
      %swap3A_567 = tpu.vector_load %arg6[%swap3A_565, %swap3A_566] {strides = array<i32>} : memref<200x128xf32, #tpu.memory_space<vmem>>, vector<16xf32>,
      tpu.vector_store %arg6[%swap3A_565, %swap3A_566], %gather3A_296 {strides = array<i32>} : memref<200x128xf32, #tpu.memory_space<vmem>>, vector<16xf32>,
      %mul3A_568 = arith.constant 4 : i32
      %mul3A_569 = arith.muli %scan3A_542, %mul3A_568 : i32
      %add3A_570 = arith.constant 2 : i32
      %add3A_571 = arith.addi %mul3A_569, %add3A_570 : i32
      %swap3A_572 = arith.index_cast %add3A_571 : i32 to index
      %swap3A_573 = arith.constant 44 : index
      %swap3A_574 = tpu.vector_load %arg6[%swap3A_572, %swap3A_573] {strides = array<i32>} : memref<200x128xf32, #tpu.memory_space<vmem>>, vector<16xf32>,
      tpu.vector_store %arg6[%swap3A_572, %swap3A_573], %gather3A_288 {strides = array<i32>} : memref<200x128xf32, #tpu.memory_space<vmem>>, vector<16xf32>,
      %swap3A_575 = arith.index_cast %add3A_571 : i32 to index
      %swap3A_576 = arith.constant 60 : index
      %swap3A_577 = tpu.vector_load %arg6[%swap3A_575, %swap3A_576] {strides = array<i32>} : memref<200x128xf32, #tpu.memory_space<vmem>>, vector<16xf32>,
      tpu.vector_store %arg6[%swap3A_575, %swap3A_576], %gather3A_292 {strides = array<i32>} : memref<200x128xf32, #tpu.memory_space<vmem>>, vector<16xf32>,
      %swap3A_578 = arith.index_cast %add3A_571 : i32 to index
      %swap3A_579 = arith.constant 72 : index
      %swap3A_580 = tpu.vector_load %arg6[%swap3A_578, %swap3A_579] {strides = array<i32>} : memref<200x128xf32, #tpu.memory_space<vmem>>, vector<16xf32>,
      tpu.vector_store %arg6[%swap3A_578, %swap3A_579], %gather3A_296 {strides = array<i32>} : memref<200x128xf32, #tpu.memory_space<vmem>>, vector<16xf32>,
      %mul3A_581 = arith.constant 4 : i32
      %mul3A_582 = arith.muli %scan3A_542, %mul3A_581 : i32
      %add3A_583 = arith.constant 3 : i32
      %add3A_584 = arith.addi %mul3A_582, %add3A_583 : i32
      %swap3A_585 = arith.index_cast %add3A_584 : i32 to index
      %swap3A_586 = arith.constant 44 : index
      %swap3A_587 = tpu.vector_load %arg6[%swap3A_585, %swap3A_586] {strides = array<i32>} : memref<200x128xf32, #tpu.memory_space<vmem>>, vector<16xf32>,
      tpu.vector_store %arg6[%swap3A_585, %swap3A_586], %gather3A_288 {strides = array<i32>} : memref<200x128xf32, #tpu.memory_space<vmem>>, vector<16xf32>,
      %swap3A_588 = arith.index_cast %add3A_584 : i32 to index
      %swap3A_589 = arith.constant 60 : index
      %swap3A_590 = tpu.vector_load %arg6[%swap3A_588, %swap3A_589] {strides = array<i32>} : memref<200x128xf32, #tpu.memory_space<vmem>>, vector<16xf32>,
      tpu.vector_store %arg6[%swap3A_588, %swap3A_589], %gather3A_292 {strides = array<i32>} : memref<200x128xf32, #tpu.memory_space<vmem>>, vector<16xf32>,
      %swap3A_591 = arith.index_cast %add3A_584 : i32 to index
      %swap3A_592 = arith.constant 72 : index
      %swap3A_593 = tpu.vector_load %arg6[%swap3A_591, %swap3A_592] {strides = array<i32>} : memref<200x128xf32, #tpu.memory_space<vmem>>, vector<16xf32>,
      tpu.vector_store %arg6[%swap3A_591, %swap3A_592], %gather3A_296 {strides = array<i32>} : memref<200x128xf32, #tpu.memory_space<vmem>>, vector<16xf32>,
    }
    %scan3A_302 = arith.constant 50 : i32
    %mul3A_303 = arith.constant 40 : i32
    %mul3A_304 = arith.muli %add3A_281, %mul3A_303 : i32
    %add3A_305 = arith.addi %mul3A_304, %mul3A_3 : i32
    %mul3A_306 = arith.constant 40 : i32
    %mul3A_307 = arith.muli %add3A_305, %mul3A_306 : i32
    %dma_start3A_308 = arith.constant 0 : i32
    %dma_start3A_309 = tpu.memref_slice %arg3[%mul3A_307, %dma_start3A_308] : memref<128000x128xf32, #tpu.memory_space<hbm>> -> memref<200x128xf32, #tpu.memory_space<hbm>>
    %dma_start3A_310 = arith.constant 0 : i32
    %dma_start3A_311 = tpu.memref_slice %arg3[%mul3A_307, %dma_start3A_310] : memref<128000x128xf32, #tpu.memory_space<hbm>> -> memref<200x128xf32, #tpu.memory_space<hbm>>
    tpu.enqueue_dma source(%arg6 : memref<200x128xf32, #tpu.memory_space<vmem>>) target(%dma_start3A_311 : memref<200x128xf32, #tpu.memory_space<hbm>>) target_semaphore(%arg8 : memref<!tpu.dma_semaphore, #tpu.memory_space<semaphore_mem>>)
    %add3A_312 = arith.constant 64000 : i32
    %add3A_313 = arith.addi %add3A_312, %mul3A_307 : i32
    %dma_start3A_314 = arith.constant 0 : i32
    %dma_start3A_315 = tpu.memref_slice %arg3[%add3A_313, %dma_start3A_314] : memref<128000x128xf32, #tpu.memory_space<hbm>> -> memref<200x128xf32, #tpu.memory_space<hbm>>
    %dma_start3A_316 = arith.constant 0 : i32
    %dma_start3A_317 = tpu.memref_slice %arg3[%add3A_313, %dma_start3A_316] : memref<128000x128xf32, #tpu.memory_space<hbm>> -> memref<200x128xf32, #tpu.memory_space<hbm>>
    tpu.enqueue_dma source(%arg6 : memref<200x128xf32, #tpu.memory_space<vmem>>) target(%dma_start3A_317 : memref<200x128xf32, #tpu.memory_space<hbm>>) target_semaphore(%arg8 : memref<!tpu.dma_semaphore, #tpu.memory_space<semaphore_mem>>)
    %dma_wait3A_318 = arith.constant 0 : i32
    %dma_wait3A_319 = arith.constant 0 : i32
    %dma_wait3A_320 = tpu.memref_slice %arg3[%dma_wait3A_318, %dma_wait3A_319] : memref<128000x128xf32, #tpu.memory_space<hbm>> -> memref<200x128xf32, #tpu.memory_space<hbm>>
    %dma_wait3A_321 = arith.constant 0 : i32
    %dma_wait3A_322 = arith.constant 0 : i32
    %dma_wait3A_323 = tpu.memref_slice %arg3[%dma_wait3A_321, %dma_wait3A_322] : memref<128000x128xf32, #tpu.memory_space<hbm>> -> memref<200x128xf32, #tpu.memory_space<hbm>>
    tpu.wait_dma2 semaphore(%arg7 : memref<!tpu.dma_semaphore, #tpu.memory_space<semaphore_mem>>) src(%dma_wait3A_323 : memref<200x128xf32, #tpu.memory_space<hbm>>) dst(%arg5 : memref<200x128xf32, #tpu.memory_space<vmem>>)
    %dma_wait3A_324 = arith.constant 0 : i32
    %dma_wait3A_325 = arith.constant 0 : i32
    %dma_wait3A_326 = tpu.memref_slice %arg3[%dma_wait3A_324, %dma_wait3A_325] : memref<128000x128xf32, #tpu.memory_space<hbm>> -> memref<200x128xf32, #tpu.memory_space<hbm>>
    %dma_wait3A_327 = arith.constant 0 : i32
    %dma_wait3A_328 = arith.constant 0 : i32
    %dma_wait3A_329 = tpu.memref_slice %arg3[%dma_wait3A_327, %dma_wait3A_328] : memref<128000x128xf32, #tpu.memory_space<hbm>> -> memref<200x128xf32, #tpu.memory_space<hbm>>
    tpu.wait_dma2 semaphore(%arg7 : memref<!tpu.dma_semaphore, #tpu.memory_space<semaphore_mem>>) src(%dma_wait3A_329 : memref<200x128xf32, #tpu.memory_space<hbm>>) dst(%arg5 : memref<200x128xf32, #tpu.memory_space<vmem>>)
    %add3A_330 = arith.constant 6 : i32
    %add3A_331 = arith.addi %mul3A_22, %add3A_330 : i32
    %add3A_332 = arith.constant 50 : i32
    %add3A_333 = arith.addi %add3A_332, %add3A_331 : i32
    %broadcast_in_dim3A_334 = vector.broadcast %add3A_333 : i32 to vector<16xi32>
    %add3A_335 = arith.constant 0 : i32
    %add3A_336 = vector.broadcast %add3A_335 : i32 to vector<16xi32>
    %add3A_337 = arith.addi %add3A_336, %iota3A : vector<16xi32>
    %gather3A_338 = tpu.vector_load_idx %arg4[%broadcast_in_dim3A_334, %add3A_337] : memref<160x128xf32, #tpu.memory_space<vmem>>[vector<16xi32>, vector<16xi32>], vector<16xf32>,
    %add3A_339 = arith.constant 16 : i32
    %add3A_340 = vector.broadcast %add3A_339 : i32 to vector<16xi32>
    %add3A_341 = arith.addi %add3A_340, %iota3A : vector<16xi32>
    %gather3A_342 = tpu.vector_load_idx %arg4[%broadcast_in_dim3A_334, %add3A_341] : memref<160x128xf32, #tpu.memory_space<vmem>>[vector<16xi32>, vector<16xi32>], vector<16xf32>,
    %add3A_343 = arith.constant 28 : i32
    %add3A_344 = vector.broadcast %add3A_343 : i32 to vector<16xi32>
    %add3A_345 = arith.addi %add3A_344, %iota3A : vector<16xi32>
    %gather3A_346 = tpu.vector_load_idx %arg4[%broadcast_in_dim3A_334, %add3A_345] : memref<160x128xf32, #tpu.memory_space<vmem>>[vector<16xi32>, vector<16xi32>], vector<16xf32>,
    %scan3A_347 = arith.constant 0 : i32
    %scan3A_348 = arith.constant 0 : i32
    %scan3A_349 = arith.constant 50 : i32
    %scan3A_350 = arith.addi %scan3A_348, %scan3A_349 : i32
    %scan3A_351 = arith.constant 1 : i32
    scf.for %scan3A_542 = %scan3A_348 to %scan3A_350 step %scan3A_351  : i32 {
      %mul3A_543 = arith.constant 4 : i32
      %mul3A_544 = arith.muli %scan3A_542, %mul3A_543 : i32
      %add3A_545 = arith.constant 0 : i32
      %add3A_546 = arith.addi %mul3A_544, %add3A_545 : i32
      %swap3A = arith.index_cast %add3A_546 : i32 to index
      %swap3A_547 = arith.constant 44 : index
      %swap3A_548 = tpu.vector_load %arg5[%swap3A, %swap3A_547] {strides = array<i32>} : memref<200x128xf32, #tpu.memory_space<vmem>>, vector<16xf32>,
      tpu.vector_store %arg5[%swap3A, %swap3A_547], %gather3A_338 {strides = array<i32>} : memref<200x128xf32, #tpu.memory_space<vmem>>, vector<16xf32>,
      %swap3A_549 = arith.index_cast %add3A_546 : i32 to index
      %swap3A_550 = arith.constant 60 : index
      %swap3A_551 = tpu.vector_load %arg5[%swap3A_549, %swap3A_550] {strides = array<i32>} : memref<200x128xf32, #tpu.memory_space<vmem>>, vector<16xf32>,
      tpu.vector_store %arg5[%swap3A_549, %swap3A_550], %gather3A_342 {strides = array<i32>} : memref<200x128xf32, #tpu.memory_space<vmem>>, vector<16xf32>,
      %swap3A_552 = arith.index_cast %add3A_546 : i32 to index
      %swap3A_553 = arith.constant 72 : index
      %swap3A_554 = tpu.vector_load %arg5[%swap3A_552, %swap3A_553] {strides = array<i32>} : memref<200x128xf32, #tpu.memory_space<vmem>>, vector<16xf32>,
      tpu.vector_store %arg5[%swap3A_552, %swap3A_553], %gather3A_346 {strides = array<i32>} : memref<200x128xf32, #tpu.memory_space<vmem>>, vector<16xf32>,
      %mul3A_555 = arith.constant 4 : i32
      %mul3A_556 = arith.muli %scan3A_542, %mul3A_555 : i32
      %add3A_557 = arith.constant 1 : i32
      %add3A_558 = arith.addi %mul3A_556, %add3A_557 : i32
      %swap3A_559 = arith.index_cast %add3A_558 : i32 to index
      %swap3A_560 = arith.constant 44 : index
      %swap3A_561 = tpu.vector_load %arg5[%swap3A_559, %swap3A_560] {strides = array<i32>} : memref<200x128xf32, #tpu.memory_space<vmem>>, vector<16xf32>,
      tpu.vector_store %arg5[%swap3A_559, %swap3A_560], %gather3A_338 {strides = array<i32>} : memref<200x128xf32, #tpu.memory_space<vmem>>, vector<16xf32>,
      %swap3A_562 = arith.index_cast %add3A_558 : i32 to index
      %swap3A_563 = arith.constant 60 : index
      %swap3A_564 = tpu.vector_load %arg5[%swap3A_562, %swap3A_563] {strides = array<i32>} : memref<200x128xf32, #tpu.memory_space<vmem>>, vector<16xf32>,
      tpu.vector_store %arg5[%swap3A_562, %swap3A_563], %gather3A_342 {strides = array<i32>} : memref<200x128xf32, #tpu.memory_space<vmem>>, vector<16xf32>,
      %swap3A_565 = arith.index_cast %add3A_558 : i32 to index
      %swap3A_566 = arith.constant 72 : index
      %swap3A_567 = tpu.vector_load %arg5[%swap3A_565, %swap3A_566] {strides = array<i32>} : memref<200x128xf32, #tpu.memory_space<vmem>>, vector<16xf32>,
      tpu.vector_store %arg5[%swap3A_565, %swap3A_566], %gather3A_346 {strides = array<i32>} : memref<200x128xf32, #tpu.memory_space<vmem>>, vector<16xf32>,
      %mul3A_568 = arith.constant 4 : i32
      %mul3A_569 = arith.muli %scan3A_542, %mul3A_568 : i32
      %add3A_570 = arith.constant 2 : i32
      %add3A_571 = arith.addi %mul3A_569, %add3A_570 : i32
      %swap3A_572 = arith.index_cast %add3A_571 : i32 to index
      %swap3A_573 = arith.constant 44 : index
      %swap3A_574 = tpu.vector_load %arg5[%swap3A_572, %swap3A_573] {strides = array<i32>} : memref<200x128xf32, #tpu.memory_space<vmem>>, vector<16xf32>,
      tpu.vector_store %arg5[%swap3A_572, %swap3A_573], %gather3A_338 {strides = array<i32>} : memref<200x128xf32, #tpu.memory_space<vmem>>, vector<16xf32>,
      %swap3A_575 = arith.index_cast %add3A_571 : i32 to index
      %swap3A_576 = arith.constant 60 : index
      %swap3A_577 = tpu.vector_load %arg5[%swap3A_575, %swap3A_576] {strides = array<i32>} : memref<200x128xf32, #tpu.memory_space<vmem>>, vector<16xf32>,
      tpu.vector_store %arg5[%swap3A_575, %swap3A_576], %gather3A_342 {strides = array<i32>} : memref<200x128xf32, #tpu.memory_space<vmem>>, vector<16xf32>,
      %swap3A_578 = arith.index_cast %add3A_571 : i32 to index
      %swap3A_579 = arith.constant 72 : index
      %swap3A_580 = tpu.vector_load %arg5[%swap3A_578, %swap3A_579] {strides = array<i32>} : memref<200x128xf32, #tpu.memory_space<vmem>>, vector<16xf32>,
      tpu.vector_store %arg5[%swap3A_578, %swap3A_579], %gather3A_346 {strides = array<i32>} : memref<200x128xf32, #tpu.memory_space<vmem>>, vector<16xf32>,
      %mul3A_581 = arith.constant 4 : i32
      %mul3A_582 = arith.muli %scan3A_542, %mul3A_581 : i32
      %add3A_583 = arith.constant 3 : i32
      %add3A_584 = arith.addi %mul3A_582, %add3A_583 : i32
      %swap3A_585 = arith.index_cast %add3A_584 : i32 to index
      %swap3A_586 = arith.constant 44 : index
      %swap3A_587 = tpu.vector_load %arg5[%swap3A_585, %swap3A_586] {strides = array<i32>} : memref<200x128xf32, #tpu.memory_space<vmem>>, vector<16xf32>,
      tpu.vector_store %arg5[%swap3A_585, %swap3A_586], %gather3A_338 {strides = array<i32>} : memref<200x128xf32, #tpu.memory_space<vmem>>, vector<16xf32>,
      %swap3A_588 = arith.index_cast %add3A_584 : i32 to index
      %swap3A_589 = arith.constant 60 : index
      %swap3A_590 = tpu.vector_load %arg5[%swap3A_588, %swap3A_589] {strides = array<i32>} : memref<200x128xf32, #tpu.memory_space<vmem>>, vector<16xf32>,
      tpu.vector_store %arg5[%swap3A_588, %swap3A_589], %gather3A_342 {strides = array<i32>} : memref<200x128xf32, #tpu.memory_space<vmem>>, vector<16xf32>,
      %swap3A_591 = arith.index_cast %add3A_584 : i32 to index
      %swap3A_592 = arith.constant 72 : index
      %swap3A_593 = tpu.vector_load %arg5[%swap3A_591, %swap3A_592] {strides = array<i32>} : memref<200x128xf32, #tpu.memory_space<vmem>>, vector<16xf32>,
      tpu.vector_store %arg5[%swap3A_591, %swap3A_592], %gather3A_346 {strides = array<i32>} : memref<200x128xf32, #tpu.memory_space<vmem>>, vector<16xf32>,
    }
    %scan3A_352 = arith.constant 50 : i32
    %mul3A_353 = arith.constant 40 : i32
    %mul3A_354 = arith.muli %add3A_331, %mul3A_353 : i32
    %add3A_355 = arith.addi %mul3A_354, %mul3A_3 : i32
    %mul3A_356 = arith.constant 40 : i32
    %mul3A_357 = arith.muli %add3A_355, %mul3A_356 : i32
    %dma_start3A_358 = arith.constant 0 : i32
    %dma_start3A_359 = tpu.memref_slice %arg3[%mul3A_357, %dma_start3A_358] : memref<128000x128xf32, #tpu.memory_space<hbm>> -> memref<200x128xf32, #tpu.memory_space<hbm>>
    %dma_start3A_360 = arith.constant 0 : i32
    %dma_start3A_361 = tpu.memref_slice %arg3[%mul3A_357, %dma_start3A_360] : memref<128000x128xf32, #tpu.memory_space<hbm>> -> memref<200x128xf32, #tpu.memory_space<hbm>>
    tpu.enqueue_dma source(%arg5 : memref<200x128xf32, #tpu.memory_space<vmem>>) target(%dma_start3A_361 : memref<200x128xf32, #tpu.memory_space<hbm>>) target_semaphore(%arg7 : memref<!tpu.dma_semaphore, #tpu.memory_space<semaphore_mem>>)
    %add3A_362 = arith.constant 64000 : i32
    %add3A_363 = arith.addi %add3A_362, %mul3A_357 : i32
    %dma_start3A_364 = arith.constant 0 : i32
    %dma_start3A_365 = tpu.memref_slice %arg3[%add3A_363, %dma_start3A_364] : memref<128000x128xf32, #tpu.memory_space<hbm>> -> memref<200x128xf32, #tpu.memory_space<hbm>>
    %dma_start3A_366 = arith.constant 0 : i32
    %dma_start3A_367 = tpu.memref_slice %arg3[%add3A_363, %dma_start3A_366] : memref<128000x128xf32, #tpu.memory_space<hbm>> -> memref<200x128xf32, #tpu.memory_space<hbm>>
    tpu.enqueue_dma source(%arg5 : memref<200x128xf32, #tpu.memory_space<vmem>>) target(%dma_start3A_367 : memref<200x128xf32, #tpu.memory_space<hbm>>) target_semaphore(%arg7 : memref<!tpu.dma_semaphore, #tpu.memory_space<semaphore_mem>>)
    %dma_wait3A_368 = arith.constant 0 : i32
    %dma_wait3A_369 = arith.constant 0 : i32
    %dma_wait3A_370 = tpu.memref_slice %arg3[%dma_wait3A_368, %dma_wait3A_369] : memref<128000x128xf32, #tpu.memory_space<hbm>> -> memref<200x128xf32, #tpu.memory_space<hbm>>
    %dma_wait3A_371 = arith.constant 0 : i32
    %dma_wait3A_372 = arith.constant 0 : i32
    %dma_wait3A_373 = tpu.memref_slice %arg3[%dma_wait3A_371, %dma_wait3A_372] : memref<128000x128xf32, #tpu.memory_space<hbm>> -> memref<200x128xf32, #tpu.memory_space<hbm>>
    tpu.wait_dma2 semaphore(%arg8 : memref<!tpu.dma_semaphore, #tpu.memory_space<semaphore_mem>>) src(%dma_wait3A_373 : memref<200x128xf32, #tpu.memory_space<hbm>>) dst(%arg6 : memref<200x128xf32, #tpu.memory_space<vmem>>)
    %dma_wait3A_374 = arith.constant 0 : i32
    %dma_wait3A_375 = arith.constant 0 : i32
    %dma_wait3A_376 = tpu.memref_slice %arg3[%dma_wait3A_374, %dma_wait3A_375] : memref<128000x128xf32, #tpu.memory_space<hbm>> -> memref<200x128xf32, #tpu.memory_space<hbm>>
    %dma_wait3A_377 = arith.constant 0 : i32
    %dma_wait3A_378 = arith.constant 0 : i32
    %dma_wait3A_379 = tpu.memref_slice %arg3[%dma_wait3A_377, %dma_wait3A_378] : memref<128000x128xf32, #tpu.memory_space<hbm>> -> memref<200x128xf32, #tpu.memory_space<hbm>>
    tpu.wait_dma2 semaphore(%arg8 : memref<!tpu.dma_semaphore, #tpu.memory_space<semaphore_mem>>) src(%dma_wait3A_379 : memref<200x128xf32, #tpu.memory_space<hbm>>) dst(%arg6 : memref<200x128xf32, #tpu.memory_space<vmem>>)
    %add3A_380 = arith.constant 7 : i32
    %add3A_381 = arith.addi %mul3A_22, %add3A_380 : i32
    %add3A_382 = arith.constant 50 : i32
    %add3A_383 = arith.addi %add3A_382, %add3A_381 : i32
    %broadcast_in_dim3A_384 = vector.broadcast %add3A_383 : i32 to vector<16xi32>
    %add3A_385 = arith.constant 0 : i32
    %add3A_386 = vector.broadcast %add3A_385 : i32 to vector<16xi32>
    %add3A_387 = arith.addi %add3A_386, %iota3A : vector<16xi32>
    %gather3A_388 = tpu.vector_load_idx %arg4[%broadcast_in_dim3A_384, %add3A_387] : memref<160x128xf32, #tpu.memory_space<vmem>>[vector<16xi32>, vector<16xi32>], vector<16xf32>,
    %add3A_389 = arith.constant 16 : i32
    %add3A_390 = vector.broadcast %add3A_389 : i32 to vector<16xi32>
    %add3A_391 = arith.addi %add3A_390, %iota3A : vector<16xi32>
    %gather3A_392 = tpu.vector_load_idx %arg4[%broadcast_in_dim3A_384, %add3A_391] : memref<160x128xf32, #tpu.memory_space<vmem>>[vector<16xi32>, vector<16xi32>], vector<16xf32>,
    %add3A_393 = arith.constant 28 : i32
    %add3A_394 = vector.broadcast %add3A_393 : i32 to vector<16xi32>
    %add3A_395 = arith.addi %add3A_394, %iota3A : vector<16xi32>
    %gather3A_396 = tpu.vector_load_idx %arg4[%broadcast_in_dim3A_384, %add3A_395] : memref<160x128xf32, #tpu.memory_space<vmem>>[vector<16xi32>, vector<16xi32>], vector<16xf32>,
    %scan3A_397 = arith.constant 0 : i32
    %scan3A_398 = arith.constant 0 : i32
    %scan3A_399 = arith.constant 50 : i32
    %scan3A_400 = arith.addi %scan3A_398, %scan3A_399 : i32
    %scan3A_401 = arith.constant 1 : i32
    scf.for %scan3A_542 = %scan3A_398 to %scan3A_400 step %scan3A_401  : i32 {
      %mul3A_543 = arith.constant 4 : i32
      %mul3A_544 = arith.muli %scan3A_542, %mul3A_543 : i32
      %add3A_545 = arith.constant 0 : i32
      %add3A_546 = arith.addi %mul3A_544, %add3A_545 : i32
      %swap3A = arith.index_cast %add3A_546 : i32 to index
      %swap3A_547 = arith.constant 44 : index
      %swap3A_548 = tpu.vector_load %arg6[%swap3A, %swap3A_547] {strides = array<i32>} : memref<200x128xf32, #tpu.memory_space<vmem>>, vector<16xf32>,
      tpu.vector_store %arg6[%swap3A, %swap3A_547], %gather3A_388 {strides = array<i32>} : memref<200x128xf32, #tpu.memory_space<vmem>>, vector<16xf32>,
      %swap3A_549 = arith.index_cast %add3A_546 : i32 to index
      %swap3A_550 = arith.constant 60 : index
      %swap3A_551 = tpu.vector_load %arg6[%swap3A_549, %swap3A_550] {strides = array<i32>} : memref<200x128xf32, #tpu.memory_space<vmem>>, vector<16xf32>,
      tpu.vector_store %arg6[%swap3A_549, %swap3A_550], %gather3A_392 {strides = array<i32>} : memref<200x128xf32, #tpu.memory_space<vmem>>, vector<16xf32>,
      %swap3A_552 = arith.index_cast %add3A_546 : i32 to index
      %swap3A_553 = arith.constant 72 : index
      %swap3A_554 = tpu.vector_load %arg6[%swap3A_552, %swap3A_553] {strides = array<i32>} : memref<200x128xf32, #tpu.memory_space<vmem>>, vector<16xf32>,
      tpu.vector_store %arg6[%swap3A_552, %swap3A_553], %gather3A_396 {strides = array<i32>} : memref<200x128xf32, #tpu.memory_space<vmem>>, vector<16xf32>,
      %mul3A_555 = arith.constant 4 : i32
      %mul3A_556 = arith.muli %scan3A_542, %mul3A_555 : i32
      %add3A_557 = arith.constant 1 : i32
      %add3A_558 = arith.addi %mul3A_556, %add3A_557 : i32
      %swap3A_559 = arith.index_cast %add3A_558 : i32 to index
      %swap3A_560 = arith.constant 44 : index
      %swap3A_561 = tpu.vector_load %arg6[%swap3A_559, %swap3A_560] {strides = array<i32>} : memref<200x128xf32, #tpu.memory_space<vmem>>, vector<16xf32>,
      tpu.vector_store %arg6[%swap3A_559, %swap3A_560], %gather3A_388 {strides = array<i32>} : memref<200x128xf32, #tpu.memory_space<vmem>>, vector<16xf32>,
      %swap3A_562 = arith.index_cast %add3A_558 : i32 to index
      %swap3A_563 = arith.constant 60 : index
      %swap3A_564 = tpu.vector_load %arg6[%swap3A_562, %swap3A_563] {strides = array<i32>} : memref<200x128xf32, #tpu.memory_space<vmem>>, vector<16xf32>,
      tpu.vector_store %arg6[%swap3A_562, %swap3A_563], %gather3A_392 {strides = array<i32>} : memref<200x128xf32, #tpu.memory_space<vmem>>, vector<16xf32>,
      %swap3A_565 = arith.index_cast %add3A_558 : i32 to index
      %swap3A_566 = arith.constant 72 : index
      %swap3A_567 = tpu.vector_load %arg6[%swap3A_565, %swap3A_566] {strides = array<i32>} : memref<200x128xf32, #tpu.memory_space<vmem>>, vector<16xf32>,
      tpu.vector_store %arg6[%swap3A_565, %swap3A_566], %gather3A_396 {strides = array<i32>} : memref<200x128xf32, #tpu.memory_space<vmem>>, vector<16xf32>,
      %mul3A_568 = arith.constant 4 : i32
      %mul3A_569 = arith.muli %scan3A_542, %mul3A_568 : i32
      %add3A_570 = arith.constant 2 : i32
      %add3A_571 = arith.addi %mul3A_569, %add3A_570 : i32
      %swap3A_572 = arith.index_cast %add3A_571 : i32 to index
      %swap3A_573 = arith.constant 44 : index
      %swap3A_574 = tpu.vector_load %arg6[%swap3A_572, %swap3A_573] {strides = array<i32>} : memref<200x128xf32, #tpu.memory_space<vmem>>, vector<16xf32>,
      tpu.vector_store %arg6[%swap3A_572, %swap3A_573], %gather3A_388 {strides = array<i32>} : memref<200x128xf32, #tpu.memory_space<vmem>>, vector<16xf32>,
      %swap3A_575 = arith.index_cast %add3A_571 : i32 to index
      %swap3A_576 = arith.constant 60 : index
      %swap3A_577 = tpu.vector_load %arg6[%swap3A_575, %swap3A_576] {strides = array<i32>} : memref<200x128xf32, #tpu.memory_space<vmem>>, vector<16xf32>,
      tpu.vector_store %arg6[%swap3A_575, %swap3A_576], %gather3A_392 {strides = array<i32>} : memref<200x128xf32, #tpu.memory_space<vmem>>, vector<16xf32>,
      %swap3A_578 = arith.index_cast %add3A_571 : i32 to index
      %swap3A_579 = arith.constant 72 : index
      %swap3A_580 = tpu.vector_load %arg6[%swap3A_578, %swap3A_579] {strides = array<i32>} : memref<200x128xf32, #tpu.memory_space<vmem>>, vector<16xf32>,
      tpu.vector_store %arg6[%swap3A_578, %swap3A_579], %gather3A_396 {strides = array<i32>} : memref<200x128xf32, #tpu.memory_space<vmem>>, vector<16xf32>,
      %mul3A_581 = arith.constant 4 : i32
      %mul3A_582 = arith.muli %scan3A_542, %mul3A_581 : i32
      %add3A_583 = arith.constant 3 : i32
      %add3A_584 = arith.addi %mul3A_582, %add3A_583 : i32
      %swap3A_585 = arith.index_cast %add3A_584 : i32 to index
      %swap3A_586 = arith.constant 44 : index
      %swap3A_587 = tpu.vector_load %arg6[%swap3A_585, %swap3A_586] {strides = array<i32>} : memref<200x128xf32, #tpu.memory_space<vmem>>, vector<16xf32>,
      tpu.vector_store %arg6[%swap3A_585, %swap3A_586], %gather3A_388 {strides = array<i32>} : memref<200x128xf32, #tpu.memory_space<vmem>>, vector<16xf32>,
      %swap3A_588 = arith.index_cast %add3A_584 : i32 to index
      %swap3A_589 = arith.constant 60 : index
      %swap3A_590 = tpu.vector_load %arg6[%swap3A_588, %swap3A_589] {strides = array<i32>} : memref<200x128xf32, #tpu.memory_space<vmem>>, vector<16xf32>,
      tpu.vector_store %arg6[%swap3A_588, %swap3A_589], %gather3A_392 {strides = array<i32>} : memref<200x128xf32, #tpu.memory_space<vmem>>, vector<16xf32>,
      %swap3A_591 = arith.index_cast %add3A_584 : i32 to index
      %swap3A_592 = arith.constant 72 : index
      %swap3A_593 = tpu.vector_load %arg6[%swap3A_591, %swap3A_592] {strides = array<i32>} : memref<200x128xf32, #tpu.memory_space<vmem>>, vector<16xf32>,
      tpu.vector_store %arg6[%swap3A_591, %swap3A_592], %gather3A_396 {strides = array<i32>} : memref<200x128xf32, #tpu.memory_space<vmem>>, vector<16xf32>,
    }
    %scan3A_402 = arith.constant 50 : i32
    %mul3A_403 = arith.constant 40 : i32
    %mul3A_404 = arith.muli %add3A_381, %mul3A_403 : i32
    %add3A_405 = arith.addi %mul3A_404, %mul3A_3 : i32
    %mul3A_406 = arith.constant 40 : i32
    %mul3A_407 = arith.muli %add3A_405, %mul3A_406 : i32
    %dma_start3A_408 = arith.constant 0 : i32
    %dma_start3A_409 = tpu.memref_slice %arg3[%mul3A_407, %dma_start3A_408] : memref<128000x128xf32, #tpu.memory_space<hbm>> -> memref<200x128xf32, #tpu.memory_space<hbm>>
    %dma_start3A_410 = arith.constant 0 : i32
    %dma_start3A_411 = tpu.memref_slice %arg3[%mul3A_407, %dma_start3A_410] : memref<128000x128xf32, #tpu.memory_space<hbm>> -> memref<200x128xf32, #tpu.memory_space<hbm>>
    tpu.enqueue_dma source(%arg6 : memref<200x128xf32, #tpu.memory_space<vmem>>) target(%dma_start3A_411 : memref<200x128xf32, #tpu.memory_space<hbm>>) target_semaphore(%arg8 : memref<!tpu.dma_semaphore, #tpu.memory_space<semaphore_mem>>)
    %add3A_412 = arith.constant 64000 : i32
    %add3A_413 = arith.addi %add3A_412, %mul3A_407 : i32
    %dma_start3A_414 = arith.constant 0 : i32
    %dma_start3A_415 = tpu.memref_slice %arg3[%add3A_413, %dma_start3A_414] : memref<128000x128xf32, #tpu.memory_space<hbm>> -> memref<200x128xf32, #tpu.memory_space<hbm>>
    %dma_start3A_416 = arith.constant 0 : i32
    %dma_start3A_417 = tpu.memref_slice %arg3[%add3A_413, %dma_start3A_416] : memref<128000x128xf32, #tpu.memory_space<hbm>> -> memref<200x128xf32, #tpu.memory_space<hbm>>
    tpu.enqueue_dma source(%arg6 : memref<200x128xf32, #tpu.memory_space<vmem>>) target(%dma_start3A_417 : memref<200x128xf32, #tpu.memory_space<hbm>>) target_semaphore(%arg8 : memref<!tpu.dma_semaphore, #tpu.memory_space<semaphore_mem>>)
    %dma_wait3A_418 = arith.constant 0 : i32
    %dma_wait3A_419 = arith.constant 0 : i32
    %dma_wait3A_420 = tpu.memref_slice %arg3[%dma_wait3A_418, %dma_wait3A_419] : memref<128000x128xf32, #tpu.memory_space<hbm>> -> memref<200x128xf32, #tpu.memory_space<hbm>>
    %dma_wait3A_421 = arith.constant 0 : i32
    %dma_wait3A_422 = arith.constant 0 : i32
    %dma_wait3A_423 = tpu.memref_slice %arg3[%dma_wait3A_421, %dma_wait3A_422] : memref<128000x128xf32, #tpu.memory_space<hbm>> -> memref<200x128xf32, #tpu.memory_space<hbm>>
    tpu.wait_dma2 semaphore(%arg7 : memref<!tpu.dma_semaphore, #tpu.memory_space<semaphore_mem>>) src(%dma_wait3A_423 : memref<200x128xf32, #tpu.memory_space<hbm>>) dst(%arg5 : memref<200x128xf32, #tpu.memory_space<vmem>>)
    %dma_wait3A_424 = arith.constant 0 : i32
    %dma_wait3A_425 = arith.constant 0 : i32
    %dma_wait3A_426 = tpu.memref_slice %arg3[%dma_wait3A_424, %dma_wait3A_425] : memref<128000x128xf32, #tpu.memory_space<hbm>> -> memref<200x128xf32, #tpu.memory_space<hbm>>
    %dma_wait3A_427 = arith.constant 0 : i32
    %dma_wait3A_428 = arith.constant 0 : i32
    %dma_wait3A_429 = tpu.memref_slice %arg3[%dma_wait3A_427, %dma_wait3A_428] : memref<128000x128xf32, #tpu.memory_space<hbm>> -> memref<200x128xf32, #tpu.memory_space<hbm>>
    tpu.wait_dma2 semaphore(%arg7 : memref<!tpu.dma_semaphore, #tpu.memory_space<semaphore_mem>>) src(%dma_wait3A_429 : memref<200x128xf32, #tpu.memory_space<hbm>>) dst(%arg5 : memref<200x128xf32, #tpu.memory_space<vmem>>)
    %add3A_430 = arith.constant 8 : i32
    %add3A_431 = arith.addi %mul3A_22, %add3A_430 : i32
    %add3A_432 = arith.constant 50 : i32
    %add3A_433 = arith.addi %add3A_432, %add3A_431 : i32
    %broadcast_in_dim3A_434 = vector.broadcast %add3A_433 : i32 to vector<16xi32>
    %add3A_435 = arith.constant 0 : i32
    %add3A_436 = vector.broadcast %add3A_435 : i32 to vector<16xi32>
    %add3A_437 = arith.addi %add3A_436, %iota3A : vector<16xi32>
    %gather3A_438 = tpu.vector_load_idx %arg4[%broadcast_in_dim3A_434, %add3A_437] : memref<160x128xf32, #tpu.memory_space<vmem>>[vector<16xi32>, vector<16xi32>], vector<16xf32>,
    %add3A_439 = arith.constant 16 : i32
    %add3A_440 = vector.broadcast %add3A_439 : i32 to vector<16xi32>
    %add3A_441 = arith.addi %add3A_440, %iota3A : vector<16xi32>
    %gather3A_442 = tpu.vector_load_idx %arg4[%broadcast_in_dim3A_434, %add3A_441] : memref<160x128xf32, #tpu.memory_space<vmem>>[vector<16xi32>, vector<16xi32>], vector<16xf32>,
    %add3A_443 = arith.constant 28 : i32
    %add3A_444 = vector.broadcast %add3A_443 : i32 to vector<16xi32>
    %add3A_445 = arith.addi %add3A_444, %iota3A : vector<16xi32>
    %gather3A_446 = tpu.vector_load_idx %arg4[%broadcast_in_dim3A_434, %add3A_445] : memref<160x128xf32, #tpu.memory_space<vmem>>[vector<16xi32>, vector<16xi32>], vector<16xf32>,
    %scan3A_447 = arith.constant 0 : i32
    %scan3A_448 = arith.constant 0 : i32
    %scan3A_449 = arith.constant 50 : i32
    %scan3A_450 = arith.addi %scan3A_448, %scan3A_449 : i32
    %scan3A_451 = arith.constant 1 : i32
    scf.for %scan3A_542 = %scan3A_448 to %scan3A_450 step %scan3A_451  : i32 {
      %mul3A_543 = arith.constant 4 : i32
      %mul3A_544 = arith.muli %scan3A_542, %mul3A_543 : i32
      %add3A_545 = arith.constant 0 : i32
      %add3A_546 = arith.addi %mul3A_544, %add3A_545 : i32
      %swap3A = arith.index_cast %add3A_546 : i32 to index
      %swap3A_547 = arith.constant 44 : index
      %swap3A_548 = tpu.vector_load %arg5[%swap3A, %swap3A_547] {strides = array<i32>} : memref<200x128xf32, #tpu.memory_space<vmem>>, vector<16xf32>,
      tpu.vector_store %arg5[%swap3A, %swap3A_547], %gather3A_438 {strides = array<i32>} : memref<200x128xf32, #tpu.memory_space<vmem>>, vector<16xf32>,
      %swap3A_549 = arith.index_cast %add3A_546 : i32 to index
      %swap3A_550 = arith.constant 60 : index
      %swap3A_551 = tpu.vector_load %arg5[%swap3A_549, %swap3A_550] {strides = array<i32>} : memref<200x128xf32, #tpu.memory_space<vmem>>, vector<16xf32>,
      tpu.vector_store %arg5[%swap3A_549, %swap3A_550], %gather3A_442 {strides = array<i32>} : memref<200x128xf32, #tpu.memory_space<vmem>>, vector<16xf32>,
      %swap3A_552 = arith.index_cast %add3A_546 : i32 to index
      %swap3A_553 = arith.constant 72 : index
      %swap3A_554 = tpu.vector_load %arg5[%swap3A_552, %swap3A_553] {strides = array<i32>} : memref<200x128xf32, #tpu.memory_space<vmem>>, vector<16xf32>,
      tpu.vector_store %arg5[%swap3A_552, %swap3A_553], %gather3A_446 {strides = array<i32>} : memref<200x128xf32, #tpu.memory_space<vmem>>, vector<16xf32>,
      %mul3A_555 = arith.constant 4 : i32
      %mul3A_556 = arith.muli %scan3A_542, %mul3A_555 : i32
      %add3A_557 = arith.constant 1 : i32
      %add3A_558 = arith.addi %mul3A_556, %add3A_557 : i32
      %swap3A_559 = arith.index_cast %add3A_558 : i32 to index
      %swap3A_560 = arith.constant 44 : index
      %swap3A_561 = tpu.vector_load %arg5[%swap3A_559, %swap3A_560] {strides = array<i32>} : memref<200x128xf32, #tpu.memory_space<vmem>>, vector<16xf32>,
      tpu.vector_store %arg5[%swap3A_559, %swap3A_560], %gather3A_438 {strides = array<i32>} : memref<200x128xf32, #tpu.memory_space<vmem>>, vector<16xf32>,
      %swap3A_562 = arith.index_cast %add3A_558 : i32 to index
      %swap3A_563 = arith.constant 60 : index
      %swap3A_564 = tpu.vector_load %arg5[%swap3A_562, %swap3A_563] {strides = array<i32>} : memref<200x128xf32, #tpu.memory_space<vmem>>, vector<16xf32>,
      tpu.vector_store %arg5[%swap3A_562, %swap3A_563], %gather3A_442 {strides = array<i32>} : memref<200x128xf32, #tpu.memory_space<vmem>>, vector<16xf32>,
      %swap3A_565 = arith.index_cast %add3A_558 : i32 to index
      %swap3A_566 = arith.constant 72 : index
      %swap3A_567 = tpu.vector_load %arg5[%swap3A_565, %swap3A_566] {strides = array<i32>} : memref<200x128xf32, #tpu.memory_space<vmem>>, vector<16xf32>,
      tpu.vector_store %arg5[%swap3A_565, %swap3A_566], %gather3A_446 {strides = array<i32>} : memref<200x128xf32, #tpu.memory_space<vmem>>, vector<16xf32>,
      %mul3A_568 = arith.constant 4 : i32
      %mul3A_569 = arith.muli %scan3A_542, %mul3A_568 : i32
      %add3A_570 = arith.constant 2 : i32
      %add3A_571 = arith.addi %mul3A_569, %add3A_570 : i32
      %swap3A_572 = arith.index_cast %add3A_571 : i32 to index
      %swap3A_573 = arith.constant 44 : index
      %swap3A_574 = tpu.vector_load %arg5[%swap3A_572, %swap3A_573] {strides = array<i32>} : memref<200x128xf32, #tpu.memory_space<vmem>>, vector<16xf32>,
      tpu.vector_store %arg5[%swap3A_572, %swap3A_573], %gather3A_438 {strides = array<i32>} : memref<200x128xf32, #tpu.memory_space<vmem>>, vector<16xf32>,
      %swap3A_575 = arith.index_cast %add3A_571 : i32 to index
      %swap3A_576 = arith.constant 60 : index
      %swap3A_577 = tpu.vector_load %arg5[%swap3A_575, %swap3A_576] {strides = array<i32>} : memref<200x128xf32, #tpu.memory_space<vmem>>, vector<16xf32>,
      tpu.vector_store %arg5[%swap3A_575, %swap3A_576], %gather3A_442 {strides = array<i32>} : memref<200x128xf32, #tpu.memory_space<vmem>>, vector<16xf32>,
      %swap3A_578 = arith.index_cast %add3A_571 : i32 to index
      %swap3A_579 = arith.constant 72 : index
      %swap3A_580 = tpu.vector_load %arg5[%swap3A_578, %swap3A_579] {strides = array<i32>} : memref<200x128xf32, #tpu.memory_space<vmem>>, vector<16xf32>,
      tpu.vector_store %arg5[%swap3A_578, %swap3A_579], %gather3A_446 {strides = array<i32>} : memref<200x128xf32, #tpu.memory_space<vmem>>, vector<16xf32>,
      %mul3A_581 = arith.constant 4 : i32
      %mul3A_582 = arith.muli %scan3A_542, %mul3A_581 : i32
      %add3A_583 = arith.constant 3 : i32
      %add3A_584 = arith.addi %mul3A_582, %add3A_583 : i32
      %swap3A_585 = arith.index_cast %add3A_584 : i32 to index
      %swap3A_586 = arith.constant 44 : index
      %swap3A_587 = tpu.vector_load %arg5[%swap3A_585, %swap3A_586] {strides = array<i32>} : memref<200x128xf32, #tpu.memory_space<vmem>>, vector<16xf32>,
      tpu.vector_store %arg5[%swap3A_585, %swap3A_586], %gather3A_438 {strides = array<i32>} : memref<200x128xf32, #tpu.memory_space<vmem>>, vector<16xf32>,
      %swap3A_588 = arith.index_cast %add3A_584 : i32 to index
      %swap3A_589 = arith.constant 60 : index
      %swap3A_590 = tpu.vector_load %arg5[%swap3A_588, %swap3A_589] {strides = array<i32>} : memref<200x128xf32, #tpu.memory_space<vmem>>, vector<16xf32>,
      tpu.vector_store %arg5[%swap3A_588, %swap3A_589], %gather3A_442 {strides = array<i32>} : memref<200x128xf32, #tpu.memory_space<vmem>>, vector<16xf32>,
      %swap3A_591 = arith.index_cast %add3A_584 : i32 to index
      %swap3A_592 = arith.constant 72 : index
      %swap3A_593 = tpu.vector_load %arg5[%swap3A_591, %swap3A_592] {strides = array<i32>} : memref<200x128xf32, #tpu.memory_space<vmem>>, vector<16xf32>,
      tpu.vector_store %arg5[%swap3A_591, %swap3A_592], %gather3A_446 {strides = array<i32>} : memref<200x128xf32, #tpu.memory_space<vmem>>, vector<16xf32>,
    }
    %scan3A_452 = arith.constant 50 : i32
    %mul3A_453 = arith.constant 40 : i32
    %mul3A_454 = arith.muli %add3A_431, %mul3A_453 : i32
    %add3A_455 = arith.addi %mul3A_454, %mul3A_3 : i32
    %mul3A_456 = arith.constant 40 : i32
    %mul3A_457 = arith.muli %add3A_455, %mul3A_456 : i32
    %dma_start3A_458 = arith.constant 0 : i32
    %dma_start3A_459 = tpu.memref_slice %arg3[%mul3A_457, %dma_start3A_458] : memref<128000x128xf32, #tpu.memory_space<hbm>> -> memref<200x128xf32, #tpu.memory_space<hbm>>
    %dma_start3A_460 = arith.constant 0 : i32
    %dma_start3A_461 = tpu.memref_slice %arg3[%mul3A_457, %dma_start3A_460] : memref<128000x128xf32, #tpu.memory_space<hbm>> -> memref<200x128xf32, #tpu.memory_space<hbm>>
    tpu.enqueue_dma source(%arg5 : memref<200x128xf32, #tpu.memory_space<vmem>>) target(%dma_start3A_461 : memref<200x128xf32, #tpu.memory_space<hbm>>) target_semaphore(%arg7 : memref<!tpu.dma_semaphore, #tpu.memory_space<semaphore_mem>>)
    %add3A_462 = arith.constant 64000 : i32
    %add3A_463 = arith.addi %add3A_462, %mul3A_457 : i32
    %dma_start3A_464 = arith.constant 0 : i32
    %dma_start3A_465 = tpu.memref_slice %arg3[%add3A_463, %dma_start3A_464] : memref<128000x128xf32, #tpu.memory_space<hbm>> -> memref<200x128xf32, #tpu.memory_space<hbm>>
    %dma_start3A_466 = arith.constant 0 : i32
    %dma_start3A_467 = tpu.memref_slice %arg3[%add3A_463, %dma_start3A_466] : memref<128000x128xf32, #tpu.memory_space<hbm>> -> memref<200x128xf32, #tpu.memory_space<hbm>>
    tpu.enqueue_dma source(%arg5 : memref<200x128xf32, #tpu.memory_space<vmem>>) target(%dma_start3A_467 : memref<200x128xf32, #tpu.memory_space<hbm>>) target_semaphore(%arg7 : memref<!tpu.dma_semaphore, #tpu.memory_space<semaphore_mem>>)
    %dma_wait3A_468 = arith.constant 0 : i32
    %dma_wait3A_469 = arith.constant 0 : i32
    %dma_wait3A_470 = tpu.memref_slice %arg3[%dma_wait3A_468, %dma_wait3A_469] : memref<128000x128xf32, #tpu.memory_space<hbm>> -> memref<200x128xf32, #tpu.memory_space<hbm>>
    %dma_wait3A_471 = arith.constant 0 : i32
    %dma_wait3A_472 = arith.constant 0 : i32
    %dma_wait3A_473 = tpu.memref_slice %arg3[%dma_wait3A_471, %dma_wait3A_472] : memref<128000x128xf32, #tpu.memory_space<hbm>> -> memref<200x128xf32, #tpu.memory_space<hbm>>
    tpu.wait_dma2 semaphore(%arg8 : memref<!tpu.dma_semaphore, #tpu.memory_space<semaphore_mem>>) src(%dma_wait3A_473 : memref<200x128xf32, #tpu.memory_space<hbm>>) dst(%arg6 : memref<200x128xf32, #tpu.memory_space<vmem>>)
    %dma_wait3A_474 = arith.constant 0 : i32
    %dma_wait3A_475 = arith.constant 0 : i32
    %dma_wait3A_476 = tpu.memref_slice %arg3[%dma_wait3A_474, %dma_wait3A_475] : memref<128000x128xf32, #tpu.memory_space<hbm>> -> memref<200x128xf32, #tpu.memory_space<hbm>>
    %dma_wait3A_477 = arith.constant 0 : i32
    %dma_wait3A_478 = arith.constant 0 : i32
    %dma_wait3A_479 = tpu.memref_slice %arg3[%dma_wait3A_477, %dma_wait3A_478] : memref<128000x128xf32, #tpu.memory_space<hbm>> -> memref<200x128xf32, #tpu.memory_space<hbm>>
    tpu.wait_dma2 semaphore(%arg8 : memref<!tpu.dma_semaphore, #tpu.memory_space<semaphore_mem>>) src(%dma_wait3A_479 : memref<200x128xf32, #tpu.memory_space<hbm>>) dst(%arg6 : memref<200x128xf32, #tpu.memory_space<vmem>>)
    %add3A_480 = arith.constant 9 : i32
    %add3A_481 = arith.addi %mul3A_22, %add3A_480 : i32
    %add3A_482 = arith.constant 50 : i32
    %add3A_483 = arith.addi %add3A_482, %add3A_481 : i32
    %broadcast_in_dim3A_484 = vector.broadcast %add3A_483 : i32 to vector<16xi32>
    %add3A_485 = arith.constant 0 : i32
    %add3A_486 = vector.broadcast %add3A_485 : i32 to vector<16xi32>
    %add3A_487 = arith.addi %add3A_486, %iota3A : vector<16xi32>
    %gather3A_488 = tpu.vector_load_idx %arg4[%broadcast_in_dim3A_484, %add3A_487] : memref<160x128xf32, #tpu.memory_space<vmem>>[vector<16xi32>, vector<16xi32>], vector<16xf32>,
    %add3A_489 = arith.constant 16 : i32
    %add3A_490 = vector.broadcast %add3A_489 : i32 to vector<16xi32>
    %add3A_491 = arith.addi %add3A_490, %iota3A : vector<16xi32>
    %gather3A_492 = tpu.vector_load_idx %arg4[%broadcast_in_dim3A_484, %add3A_491] : memref<160x128xf32, #tpu.memory_space<vmem>>[vector<16xi32>, vector<16xi32>], vector<16xf32>,
    %add3A_493 = arith.constant 28 : i32
    %add3A_494 = vector.broadcast %add3A_493 : i32 to vector<16xi32>
    %add3A_495 = arith.addi %add3A_494, %iota3A : vector<16xi32>
    %gather3A_496 = tpu.vector_load_idx %arg4[%broadcast_in_dim3A_484, %add3A_495] : memref<160x128xf32, #tpu.memory_space<vmem>>[vector<16xi32>, vector<16xi32>], vector<16xf32>,
    %scan3A_497 = arith.constant 0 : i32
    %scan3A_498 = arith.constant 0 : i32
    %scan3A_499 = arith.constant 50 : i32
    %scan3A_500 = arith.addi %scan3A_498, %scan3A_499 : i32
    %scan3A_501 = arith.constant 1 : i32
    scf.for %scan3A_542 = %scan3A_498 to %scan3A_500 step %scan3A_501  : i32 {
      %mul3A_543 = arith.constant 4 : i32
      %mul3A_544 = arith.muli %scan3A_542, %mul3A_543 : i32
      %add3A_545 = arith.constant 0 : i32
      %add3A_546 = arith.addi %mul3A_544, %add3A_545 : i32
      %swap3A = arith.index_cast %add3A_546 : i32 to index
      %swap3A_547 = arith.constant 44 : index
      %swap3A_548 = tpu.vector_load %arg6[%swap3A, %swap3A_547] {strides = array<i32>} : memref<200x128xf32, #tpu.memory_space<vmem>>, vector<16xf32>,
      tpu.vector_store %arg6[%swap3A, %swap3A_547], %gather3A_488 {strides = array<i32>} : memref<200x128xf32, #tpu.memory_space<vmem>>, vector<16xf32>,
      %swap3A_549 = arith.index_cast %add3A_546 : i32 to index
      %swap3A_550 = arith.constant 60 : index
      %swap3A_551 = tpu.vector_load %arg6[%swap3A_549, %swap3A_550] {strides = array<i32>} : memref<200x128xf32, #tpu.memory_space<vmem>>, vector<16xf32>,
      tpu.vector_store %arg6[%swap3A_549, %swap3A_550], %gather3A_492 {strides = array<i32>} : memref<200x128xf32, #tpu.memory_space<vmem>>, vector<16xf32>,
      %swap3A_552 = arith.index_cast %add3A_546 : i32 to index
      %swap3A_553 = arith.constant 72 : index
      %swap3A_554 = tpu.vector_load %arg6[%swap3A_552, %swap3A_553] {strides = array<i32>} : memref<200x128xf32, #tpu.memory_space<vmem>>, vector<16xf32>,
      tpu.vector_store %arg6[%swap3A_552, %swap3A_553], %gather3A_496 {strides = array<i32>} : memref<200x128xf32, #tpu.memory_space<vmem>>, vector<16xf32>,
      %mul3A_555 = arith.constant 4 : i32
      %mul3A_556 = arith.muli %scan3A_542, %mul3A_555 : i32
      %add3A_557 = arith.constant 1 : i32
      %add3A_558 = arith.addi %mul3A_556, %add3A_557 : i32
      %swap3A_559 = arith.index_cast %add3A_558 : i32 to index
      %swap3A_560 = arith.constant 44 : index
      %swap3A_561 = tpu.vector_load %arg6[%swap3A_559, %swap3A_560] {strides = array<i32>} : memref<200x128xf32, #tpu.memory_space<vmem>>, vector<16xf32>,
      tpu.vector_store %arg6[%swap3A_559, %swap3A_560], %gather3A_488 {strides = array<i32>} : memref<200x128xf32, #tpu.memory_space<vmem>>, vector<16xf32>,
      %swap3A_562 = arith.index_cast %add3A_558 : i32 to index
      %swap3A_563 = arith.constant 60 : index
      %swap3A_564 = tpu.vector_load %arg6[%swap3A_562, %swap3A_563] {strides = array<i32>} : memref<200x128xf32, #tpu.memory_space<vmem>>, vector<16xf32>,
      tpu.vector_store %arg6[%swap3A_562, %swap3A_563], %gather3A_492 {strides = array<i32>} : memref<200x128xf32, #tpu.memory_space<vmem>>, vector<16xf32>,
      %swap3A_565 = arith.index_cast %add3A_558 : i32 to index
      %swap3A_566 = arith.constant 72 : index
      %swap3A_567 = tpu.vector_load %arg6[%swap3A_565, %swap3A_566] {strides = array<i32>} : memref<200x128xf32, #tpu.memory_space<vmem>>, vector<16xf32>,
      tpu.vector_store %arg6[%swap3A_565, %swap3A_566], %gather3A_496 {strides = array<i32>} : memref<200x128xf32, #tpu.memory_space<vmem>>, vector<16xf32>,
      %mul3A_568 = arith.constant 4 : i32
      %mul3A_569 = arith.muli %scan3A_542, %mul3A_568 : i32
      %add3A_570 = arith.constant 2 : i32
      %add3A_571 = arith.addi %mul3A_569, %add3A_570 : i32
      %swap3A_572 = arith.index_cast %add3A_571 : i32 to index
      %swap3A_573 = arith.constant 44 : index
      %swap3A_574 = tpu.vector_load %arg6[%swap3A_572, %swap3A_573] {strides = array<i32>} : memref<200x128xf32, #tpu.memory_space<vmem>>, vector<16xf32>,
      tpu.vector_store %arg6[%swap3A_572, %swap3A_573], %gather3A_488 {strides = array<i32>} : memref<200x128xf32, #tpu.memory_space<vmem>>, vector<16xf32>,
      %swap3A_575 = arith.index_cast %add3A_571 : i32 to index
      %swap3A_576 = arith.constant 60 : index
      %swap3A_577 = tpu.vector_load %arg6[%swap3A_575, %swap3A_576] {strides = array<i32>} : memref<200x128xf32, #tpu.memory_space<vmem>>, vector<16xf32>,
      tpu.vector_store %arg6[%swap3A_575, %swap3A_576], %gather3A_492 {strides = array<i32>} : memref<200x128xf32, #tpu.memory_space<vmem>>, vector<16xf32>,
      %swap3A_578 = arith.index_cast %add3A_571 : i32 to index
      %swap3A_579 = arith.constant 72 : index
      %swap3A_580 = tpu.vector_load %arg6[%swap3A_578, %swap3A_579] {strides = array<i32>} : memref<200x128xf32, #tpu.memory_space<vmem>>, vector<16xf32>,
      tpu.vector_store %arg6[%swap3A_578, %swap3A_579], %gather3A_496 {strides = array<i32>} : memref<200x128xf32, #tpu.memory_space<vmem>>, vector<16xf32>,
      %mul3A_581 = arith.constant 4 : i32
      %mul3A_582 = arith.muli %scan3A_542, %mul3A_581 : i32
      %add3A_583 = arith.constant 3 : i32
      %add3A_584 = arith.addi %mul3A_582, %add3A_583 : i32
      %swap3A_585 = arith.index_cast %add3A_584 : i32 to index
      %swap3A_586 = arith.constant 44 : index
      %swap3A_587 = tpu.vector_load %arg6[%swap3A_585, %swap3A_586] {strides = array<i32>} : memref<200x128xf32, #tpu.memory_space<vmem>>, vector<16xf32>,
      tpu.vector_store %arg6[%swap3A_585, %swap3A_586], %gather3A_488 {strides = array<i32>} : memref<200x128xf32, #tpu.memory_space<vmem>>, vector<16xf32>,
      %swap3A_588 = arith.index_cast %add3A_584 : i32 to index
      %swap3A_589 = arith.constant 60 : index
      %swap3A_590 = tpu.vector_load %arg6[%swap3A_588, %swap3A_589] {strides = array<i32>} : memref<200x128xf32, #tpu.memory_space<vmem>>, vector<16xf32>,
      tpu.vector_store %arg6[%swap3A_588, %swap3A_589], %gather3A_492 {strides = array<i32>} : memref<200x128xf32, #tpu.memory_space<vmem>>, vector<16xf32>,
      %swap3A_591 = arith.index_cast %add3A_584 : i32 to index
      %swap3A_592 = arith.constant 72 : index
      %swap3A_593 = tpu.vector_load %arg6[%swap3A_591, %swap3A_592] {strides = array<i32>} : memref<200x128xf32, #tpu.memory_space<vmem>>, vector<16xf32>,
      tpu.vector_store %arg6[%swap3A_591, %swap3A_592], %gather3A_496 {strides = array<i32>} : memref<200x128xf32, #tpu.memory_space<vmem>>, vector<16xf32>,
    }
    %scan3A_502 = arith.constant 50 : i32
    %mul3A_503 = arith.constant 40 : i32
    %mul3A_504 = arith.muli %add3A_481, %mul3A_503 : i32
    %add3A_505 = arith.addi %mul3A_504, %mul3A_3 : i32
    %mul3A_506 = arith.constant 40 : i32
    %mul3A_507 = arith.muli %add3A_505, %mul3A_506 : i32
    %dma_start3A_508 = arith.constant 0 : i32
    %dma_start3A_509 = tpu.memref_slice %arg3[%mul3A_507, %dma_start3A_508] : memref<128000x128xf32, #tpu.memory_space<hbm>> -> memref<200x128xf32, #tpu.memory_space<hbm>>
    %dma_start3A_510 = arith.constant 0 : i32
    %dma_start3A_511 = tpu.memref_slice %arg3[%mul3A_507, %dma_start3A_510] : memref<128000x128xf32, #tpu.memory_space<hbm>> -> memref<200x128xf32, #tpu.memory_space<hbm>>
    tpu.enqueue_dma source(%arg6 : memref<200x128xf32, #tpu.memory_space<vmem>>) target(%dma_start3A_511 : memref<200x128xf32, #tpu.memory_space<hbm>>) target_semaphore(%arg8 : memref<!tpu.dma_semaphore, #tpu.memory_space<semaphore_mem>>)
    %add3A_512 = arith.constant 64000 : i32
    %add3A_513 = arith.addi %add3A_512, %mul3A_507 : i32
    %dma_start3A_514 = arith.constant 0 : i32
    %dma_start3A_515 = tpu.memref_slice %arg3[%add3A_513, %dma_start3A_514] : memref<128000x128xf32, #tpu.memory_space<hbm>> -> memref<200x128xf32, #tpu.memory_space<hbm>>
    %dma_start3A_516 = arith.constant 0 : i32
    %dma_start3A_517 = tpu.memref_slice %arg3[%add3A_513, %dma_start3A_516] : memref<128000x128xf32, #tpu.memory_space<hbm>> -> memref<200x128xf32, #tpu.memory_space<hbm>>
    tpu.enqueue_dma source(%arg6 : memref<200x128xf32, #tpu.memory_space<vmem>>) target(%dma_start3A_517 : memref<200x128xf32, #tpu.memory_space<hbm>>) target_semaphore(%arg8 : memref<!tpu.dma_semaphore, #tpu.memory_space<semaphore_mem>>)
    %dma_wait3A_518 = arith.constant 0 : i32
    %dma_wait3A_519 = arith.constant 0 : i32
    %dma_wait3A_520 = tpu.memref_slice %arg3[%dma_wait3A_518, %dma_wait3A_519] : memref<128000x128xf32, #tpu.memory_space<hbm>> -> memref<200x128xf32, #tpu.memory_space<hbm>>
    %dma_wait3A_521 = arith.constant 0 : i32
    %dma_wait3A_522 = arith.constant 0 : i32
    %dma_wait3A_523 = tpu.memref_slice %arg3[%dma_wait3A_521, %dma_wait3A_522] : memref<128000x128xf32, #tpu.memory_space<hbm>> -> memref<200x128xf32, #tpu.memory_space<hbm>>
    tpu.wait_dma2 semaphore(%arg7 : memref<!tpu.dma_semaphore, #tpu.memory_space<semaphore_mem>>) src(%dma_wait3A_523 : memref<200x128xf32, #tpu.memory_space<hbm>>) dst(%arg5 : memref<200x128xf32, #tpu.memory_space<vmem>>)
    %dma_wait3A_524 = arith.constant 0 : i32
    %dma_wait3A_525 = arith.constant 0 : i32
    %dma_wait3A_526 = tpu.memref_slice %arg3[%dma_wait3A_524, %dma_wait3A_525] : memref<128000x128xf32, #tpu.memory_space<hbm>> -> memref<200x128xf32, #tpu.memory_space<hbm>>
    %dma_wait3A_527 = arith.constant 0 : i32
    %dma_wait3A_528 = arith.constant 0 : i32
    %dma_wait3A_529 = tpu.memref_slice %arg3[%dma_wait3A_527, %dma_wait3A_528] : memref<128000x128xf32, #tpu.memory_space<hbm>> -> memref<200x128xf32, #tpu.memory_space<hbm>>
    tpu.wait_dma2 semaphore(%arg7 : memref<!tpu.dma_semaphore, #tpu.memory_space<semaphore_mem>>) src(%dma_wait3A_529 : memref<200x128xf32, #tpu.memory_space<hbm>>) dst(%arg5 : memref<200x128xf32, #tpu.memory_space<vmem>>)
    %dma_wait3A_530 = arith.constant 0 : i32
    %dma_wait3A_531 = arith.constant 0 : i32
    %dma_wait3A_532 = tpu.memref_slice %arg3[%dma_wait3A_530, %dma_wait3A_531] : memref<128000x128xf32, #tpu.memory_space<hbm>> -> memref<200x128xf32, #tpu.memory_space<hbm>>
    %dma_wait3A_533 = arith.constant 0 : i32
    %dma_wait3A_534 = arith.constant 0 : i32
    %dma_wait3A_535 = tpu.memref_slice %arg3[%dma_wait3A_533, %dma_wait3A_534] : memref<128000x128xf32, #tpu.memory_space<hbm>> -> memref<200x128xf32, #tpu.memory_space<hbm>>
    tpu.wait_dma2 semaphore(%arg8 : memref<!tpu.dma_semaphore, #tpu.memory_space<semaphore_mem>>) src(%dma_wait3A_535 : memref<200x128xf32, #tpu.memory_space<hbm>>) dst(%arg6 : memref<200x128xf32, #tpu.memory_space<vmem>>)
    %dma_wait3A_536 = arith.constant 0 : i32
    %dma_wait3A_537 = arith.constant 0 : i32
    %dma_wait3A_538 = tpu.memref_slice %arg3[%dma_wait3A_536, %dma_wait3A_537] : memref<128000x128xf32, #tpu.memory_space<hbm>> -> memref<200x128xf32, #tpu.memory_space<hbm>>
    %dma_wait3A_539 = arith.constant 0 : i32
    %dma_wait3A_540 = arith.constant 0 : i32
    %dma_wait3A_541 = tpu.memref_slice %arg3[%dma_wait3A_539, %dma_wait3A_540] : memref<128000x128xf32, #tpu.memory_space<hbm>> -> memref<200x128xf32, #tpu.memory_space<hbm>>
    tpu.wait_dma2 semaphore(%arg8 : memref<!tpu.dma_semaphore, #tpu.memory_space<semaphore_mem>>) src(%dma_wait3A_541 : memref<200x128xf32, #tpu.memory_space<hbm>>) dst(%arg6 : memref<200x128xf32, #tpu.memory_space<vmem>>)
    return
  }
}

</mosaic_0001>

<sc_bundles>
// kernel: _pos_embed.3.cloned.1.call-start
scs
__scs_entry_jumppad:
0x0: {  	(pc) =	sbr.rel $0x88, $3  }
0x1: {  	(tag) =	ssettag $0x0;
	lr =	simm.s32 $0x1  }
0x2: {  	[smem:$0x3FA0] =	sst lr;
	_ =	strace $0xD0000000  }
0x3: {  	_ = 	snop  }
0x4: {  	_ = 	snop  }
0x5: {  	_ = 	snop  }
0x6: {  	_ = 	snop  }
0x7: {  	_ = 	snop  }
__scs_overlays_trampoline_lowered:
0x8: {  	[smem:$0x3FAF] =	sst s0  }
0x9: {  	[smem:$0x3FB0] =	sst s1  }
0xa: {  	[smem:$0x3FB1] =	sst s2  }
0xb: {  	[smem:$0x3FB2] =	sst s3  }
0xc: {  	[smem:$0x3FB3] =	sst s4  }
0xd: {  	[smem:$0x3FB4] =	sst s5  }
0xe: {  	[smem:$0x3FB5] =	sst s6  }
0xf: {  	[smem:$0x3FB6] =	sst s7  }
0x10: {  	[smem:$0x3FB7] =	sst s8  }
0x11: {  	[smem:$0x3FB8] =	sst s9;
	s0 =	simm.s32 @!p0 $0x0  }
0x12: {  	s1 =	sld [smem:$0x3F9E];
	s0 =	simm.s32 @p0 $0x1  }
0x13: {  	[smem:$0x3FB9] =	sst s0;
	s0 =	simm.s32 @!p1 $0x0  }
0x14: {  	s2 =	sld [smem:$0x3F9D];
	s0 =	simm.s32 @p1 $0x1  }
0x15: {  	[smem:$0x3FBA] =	sst s0;
	s0 =	simm.s32 @!p2 $0x0  }
0x16: {  	s3 =	sld [smem:$0x3FDB];
	s0 =	simm.s32 @p2 $0x1  }
0x17: {  	s4 =	simm.s32 $0x1BF5;
	[smem:$0x3FBC] =	sst s0  }
0x18: {  	s0 =	sld [smem:$0x3F9F];
	_ =	swait.ge [sflag:s4], $0x0  }
0x19: {  	s7 =	sld [smem:$0x3FA0]  }
0x1a: {  	s8 =	sadd.s32 $0xFFFFE003, lr  }
0x1b: {  	s9 =	sadd.s32 $0xFFFFFEF7, lr;
	s5 =	simm.s32 $0xFFFFFFFF;
	p2 =	slt.u32 s8, $0xFFFFF086  }
0x1c: {  	p1 =	slt.u32 s9, $0xF7A;
	s5 =	simm.s32 @!p2 $0x0  }
0x1d: {  	s5 =	simm.s32 @p1 $0x1;
	p0 =	seq.s32 s7, s2  }
0x1e: {  	s7 =	smul.u32 @!p0 $0xF7A, s2;
	p2 =	seq.s32 @!p0 s5, $0x0  }
0x1f: {  	s9 =	smul.u32 $0xF7A, s1;
	s8 =	simm.s32 @!p0 $0x1BF5;
	p2 =	por !p2, p0  }
0x20: {  	[sflag:s8] =	ssyncset.s32 @!p0 $0xFFFFF086;
	s6 =	sadd.s32 @!p0 s3, s7;
	s7 =	simm.s32 @!p0 $0x108  }
0x21: {  	s3 =	sadd.s32 s3, s9;
	s6 =	sadd.s32 @!p0 $0x88, s6;
	s7 =	simm.s32 @p2 $0x1082  }
0x22: {  	[simem:s7], [sflag:s8] =	dma.local @!p0 [hbm:s6], $0xF7A  }
0x23: {  	s9 =	sor.u32 $0xD0000000, s2;
	s6 =	simm.s32 $0x108;
	_ =	swait.ge @!p0 [sflag:s8], $0x0  }
0x24: {  	s3 =	sadd.s32 $0x88, s3;
	s6 =	simm.s32 @!p1 $0x1082;
	[sflag:s4] =	ssyncset.s32 $0xFFFFF086  }
0x25: {  	[simem:s6], [sflag:s4] =	dma.local [hbm:s3], $0xF7A  }
0x26: {  	[smem:$0x3FA0] =	sst s1;
	(tag) =	ssettag s2;
	_ =	strace s9  }
0x27: {  	s1 =	sld [smem:$0x3FB0]  }
0x28: {  	s2 =	sld [smem:$0x3FB1]  }
0x29: {  	s4 =	sld [smem:$0x3FB3]  }
0x2a: {  	p0 =	seq.s32 s5, $0x0;
	s5 =	sld [smem:$0x3FB4]  }
0x2b: {  	s6 =	sld [smem:$0x3FB5]  }
0x2c: {  	s7 =	sld [smem:$0x3FB6]  }
0x2d: {  	s3 =	simm.s32 $0x108;
	s8 =	sld [smem:$0x3FB7]  }
0x2e: {  	s3 =	simm.s32 @!p0 $0x1082;
	s9 =	sld [smem:$0x3FB8]  }
0x2f: {  	lr =	sadd.s32 s0, s3;
	s0 =	sld [smem:$0x3FAF]  }
0x30: {  	s3 =	sld [smem:$0x3FB2]  }
0x31: {  	[smem:$0x3FBB] =	sst s10  }
0x32: {  	s10 =	sld [smem:$0x3FB9];
	_ =	sdelay $0x3  }
0x33: {  	p0 =	seq.s32 s10, $0x1;
	s10 =	sld [smem:$0x3FBB];
	_ =	sdelay $0x3  }
0x34: {  	[smem:$0x3FBB] =	sst s10  }
0x35: {  	s10 =	sld [smem:$0x3FBA];
	_ =	sdelay $0x3  }
0x36: {  	p1 =	seq.s32 s10, $0x1;
	s10 =	sld [smem:$0x3FBB];
	_ =	sdelay $0x3  }
0x37: {  	[smem:$0x3FBB] =	sst s10  }
0x38: {  	s10 =	sld [smem:$0x3FBC]  }
0x39: {  	_ = 	snop;
	(pc) =	sbr.ind lr, $3  }
0x3a: {  	_ = 	snop  }
0x3b: {  	_ = 	snop  }
0x3c: {  	p2 =	seq.s32 s10, $0x1;
	s10 =	sld [smem:$0x3FBB]  }
0x3d: {  	_ =	shalt  }
0x3e: {  	_ =	shalt  }
0x3f: {  	_ =	shalt  }
0x40: {  	_ =	shalt  }
0x41: {  	_ =	shalt  }
0x42: {  	_ =	shalt  }
0x43: {  	_ =	shalt  }
0x44: {  	_ =	shalt  }
0x45: {  	_ =	shalt  }
0x46: {  	_ =	shalt  }
0x47: {  	_ =	shalt  }
0x48: {  	_ =	shalt  }
0x49: {  	_ =	shalt  }
0x4a: {  	_ =	shalt  }
0x4b: {  	_ =	shalt  }
0x4c: {  	_ =	shalt  }
0x4d: {  	_ =	shalt  }
0x4e: {  	_ =	shalt  }
0x4f: {  	_ =	shalt  }
0x50: {  	_ =	shalt  }
0x51: {  	_ =	shalt  }
0x52: {  	_ =	shalt  }
0x53: {  	_ =	shalt  }
0x54: {  	_ =	shalt  }
0x55: {  	_ =	shalt  }
0x56: {  	_ =	shalt  }
0x57: {  	_ =	shalt  }
0x58: {  	_ =	shalt  }
0x59: {  	_ =	shalt  }
0x5a: {  	_ =	shalt  }
0x5b: {  	_ =	shalt  }
0x5c: {  	_ =	shalt  }
0x5d: {  	_ =	shalt  }
0x5e: {  	_ =	shalt  }
0x5f: {  	_ =	shalt  }
0x60: {  	_ =	shalt  }
0x61: {  	_ =	shalt  }
0x62: {  	_ =	shalt  }
0x63: {  	_ =	shalt  }
0x64: {  	_ =	shalt  }
0x65: {  	_ =	shalt  }
0x66: {  	_ =	shalt  }
0x67: {  	_ =	shalt  }
0x68: {  	_ =	shalt  }
0x69: {  	_ =	shalt  }
0x6a: {  	_ =	shalt  }
0x6b: {  	_ =	shalt  }
0x6c: {  	_ =	shalt  }
0x6d: {  	_ =	shalt  }
0x6e: {  	_ =	shalt  }
0x6f: {  	_ =	shalt  }
0x70: {  	_ =	shalt  }
0x71: {  	_ =	shalt  }
0x72: {  	_ =	shalt  }
0x73: {  	_ =	shalt  }
0x74: {  	_ =	shalt  }
0x75: {  	_ =	shalt  }
0x76: {  	_ =	shalt  }
0x77: {  	_ =	shalt  }
0x78: {  	_ =	shalt  }
0x79: {  	_ =	shalt  }
0x7a: {  	_ =	shalt  }
0x7b: {  	_ =	shalt  }
0x7c: {  	_ =	shalt  }
0x7d: {  	_ =	shalt  }
0x7e: {  	_ =	shalt  }
0x7f: {  	_ =	shalt  }
0x80: {  	_ =	shalt  }
0x81: {  	_ =	shalt  }
0x82: {  	_ =	shalt  }
0x83: {  	_ =	shalt  }
0x84: {  	_ =	shalt  }
0x85: {  	_ =	shalt  }
0x86: {  	_ =	shalt  }
0x87: {  	_ =	shalt  }
.Lfunc_end0:
.L_simem_size_0:
called_computation_lowered:
.L_overlay_start_0:
0x88: {  	s2 =	sld [smem:$0x3FD9]  }
0x89: {  	s3 =	sld [smem:$0x3FFE];
	_ =	sdelay $0x1  }
0x8a: {  	s1 =	srdreg.scid  }
0x8b: {  	s0 =	sand.u32 $0x1, s1  }
0x8c: {  	s18 =	sshll.u32 s0, $0xA;
	s2 =	sadd.s32 s3, s2  }
0x8d: {  	s2 =	sadd.s32 s2, s18  }
0x8e: {  	[smem:$0x3FC7] =	sst s2  }
0x8f: {  	_ = 	snop  }
0x90: {  	s2 =	sld [smem:$0x3FC9]  }
0x91: {  	s19 =	sld [smem:$0x3FD0];
	(tm) =	ssettm $0x1  }
0x92: {  	s4 =	sld [smem:$0x3FFB];
	_ =	sdelay $0x3  }
0x93: {  	_ =	strace s4  }
0x94: {  	s4 =	sld [smem:$0x3FFC];
	_ =	sdelay $0x3  }
0x95: {  	_ =	strace s4  }
0x96: {  	s4 =	sld [smem:$0x3FFD];
	_ =	sdelay $0x3  }
0x97: {  	_ =	strace s4  }
0x98: {  	_ =	strace $0x8FFFFFFF  }
0x99: {  	s20 =	sld [smem:$0x3FDB];
	_ =	sdelay $0x1  }
0x9a: {  	s5 =	simm.s32 $_scs_section_size  }
0x9b: {  	s6 =	simm.s32 $_size__tile_overlayer_lowered;
	s7 =	simm.s32 $_tile_overlayer_lowered  }
0x9c: {  	s23 =	simm.s32 $0x1BFF;
	s22 =	sshll.u32 s7, $0x1;
	s4 =	sadd.s32 s5, s20  }
0x9d: {  	s8 =	simm.s32 $0x0;
	s21 =	sshll.u32 s6, $0x1;
	s6 =	sadd.s32 s22, s4  }
0x9e: {  	[timem:s8], [sflag:s23] =	dma.local [hbm:s6], s21  }
0x9f: {  	_ =	swait.ge [sflag:s23], s21  }
0xa0: {  	s5 =	ssub.s32 $0x0, s21;
	[sflag:s23] =	ssyncset.done $0x0  }
0xa1: {  	[sflag:s23] =	ssyncadd.s32 s5;
	_ =	sdelay $0x1  }
0xa2: {  	s24 =	simm.s32 $0x1B8B  }
0xa3: {  	_ =	swait.ge [sflag:s24], $0x1  }
0xa4: {  	[sflag:s24] =	ssyncset.done $0x0  }
0xa5: {  	s25 =	simm.s32 $0x1B8E;
	[sflag:s24] =	ssyncadd.s32 $0xFFFFFFFF  }
0xa6: {  	s26 =	simm.s32 $execute0_lowered;
	[smem:$0x3FD2] =	sst s25  }
0xa7: {  	s5 =	sshll.u32 s26, $0x1;
	_ =	strace $0x80000046;
	[dreg:$0x1] =	wrdreg $0xFFFFFFFF  }
0xa8: {  	s28 =	simm.s32 $_size_execute0_lowered;
	s4 =	sadd.s32 s4, s5;
	[dreg:$0x0] =	wrdreg $0x0  }
0xa9: {  	s5 =	sshll.u32 s28, $0x1;
	[dreg:$0x2] =	wrdreg s4  }
0xaa: {  	[dreg:$0x3] =	wrdreg s5  }
0xab: {  	[dreg:$0x4] =	wrdreg $0xC0  }
0xac: {  	_ =	task [dreg:s8], $0x5FFFF  }
0xad: {  	[dreg:$0x1] =	wrdreg $0xFFFFFFFF  }
0xae: {  	[dreg:$0x0] =	wrdreg $0x60  }
0xaf: {  	[dreg:$0x2] =	wrdreg s2  }
0xb0: {  	[dreg:$0x3] =	wrdreg s19  }
0xb1: {  	[dreg:$0x4] =	wrdreg $0x9  }
0xb2: {  	_ =	task.clear_ibuf [dreg:s8], $0x5FFFF;
	_ =	strace $0x90000046  }
0xb3: {  	s29 =	simm.s32 $0x9;
	_ =	strace $0x80000048  }
0xb4: {  	_ =	swait.ge [sflag:s29], $0x1  }
0xb5: {  	[sflag:s29] =	ssyncadd.s32 $0xFFFFFFFF  }
0xb6: {  	_ =	strace $0x90000048  }
0xb7: {  	_ =	sfence  }
0xb8: {  	s30 =	sld [smem:$0x0];
	_ =	sdelay $0x2  }
0xb9: {  	s31 =	sshll.u32 s1, $0xD;
	s1 =	sshrl.u32 s1, $0x2  }
0xba: {  	s3 =	sand.u32 $0x4000, s31;
	s1 =	sadd.s32 s1, s30  }
0xbb: {  	s0 =	sor.u32 s3, s0;
	s1 =	sshll.u32 s1, $0x11  }
0xbc: {  	s0 =	sor.u32 s1, s0  }
0xbd: {  	s0 =	sadd.s32 $0x8F2B, s0  }
0xbe: {  	[sflag:s0] =	ssyncadd.remote.s32 $0x1  }
0xbf: {  	_ =	sfence.sel $0xFFFF  }
0xc0: {  	[dreg:$0x0] =	wrdreg $0xFFFFFFFF;
	(pc) =	sbr.abs _section_cstart, $3  }
0xc1: {  	[dreg:$0x1] =	wrdreg $0xFFFFFFFF  }
0xc2: {  	_ =	task.clear_ibuf [dreg:s8], $0x2FFFF;
	_ =	strace $0x9FFFFFFF  }
0xc3: {  	(tm) =	ssettm $0x7FFFFFFF  }
tec
execute0_lowered:
.L_overlay_start_1:
0x0: {  	(tag) =	ssettag $0x1  }
0x1: {  	s3 =	stileid.u32  }
0x2: {  	s0 =	srdreg.scid;
	s1 =	sshll.u32 s3, $0x1  }
0x3: {  	s0 =	sand.u32 $0x1, s0;
	s24 =	sshrl.u32 s3, $0x2;
	s1 =	sand.u32 $0x6, s1  }
0x4: {  	s3 =	smul.u32 $0x190, s24;
	s1 =	sor.u32 s0, s1  }
0x5: {  	s17 =	rddreg [dreg:$0x1];
	s4 =	simm.s32 $0x0;
	s2 =	smul.u32 $0x5, s1  }
0x6: {  	s28 =	simm.s32 $0x5000;
	s29 =	simm.s32 $0xB400;
	s30 =	simm.s32 $0x1  }
0x7: {  	s31 =	simm.s32 $0x2;
	s21 =	smul.u32 $0x500, s24;
	s3 =	sadd.s32 s3, s2  }
0x8: {  	[smem:$0x7FF] =	sst s4;
	s0 =	ssub.s32 $0x2, s0;
	s6 =	smul.u32 $0x1400, s3  }
0x9: {  	_ =	strace $0x80000047;
	s25 =	sshrl.u32 s0, $0x1;
	s26 =	sadd.s32 $0x1900, s21  }
0xa: {  	s1 =	ssub.s32 s0, s25;
	s3 =	smul.u32 $0x280, s3;
	s5 =	sshrl.u32 s6, $0x3  }
0xb: {  	s19 =	sadd.s32 $0x32000, s6;
	s8 =	sadd.s32 $0x64000, s6;
	s20 =	sadd.s32 $0x96000, s6  }
0xc: {  	s12 =	sadd.s32 $0xC8000, s6;
	s14 =	sadd.s32 $0xFA000, s6;
	s24 =	sadd.s32 $0x12C000, s6  }
0xd: {  	s15 =	sadd.s32 $0x15E000, s6;
	s7 =	sadd.s32 s17, s5;
	s5 =	sadd.s32 s17, s3  }
0xe: {  	s3 =	sshrl.u32 s19, $0x3;
	s8 =	sshrl.u32 s8, $0x3;
	s13 =	sshrl.u32 s12, $0x3  }
0xf: {  	s19 =	sadd.s32 $0x1B00, s21;
	s23 =	sshrl.u32 s14, $0x3;
	s16 =	sshrl.u32 s24, $0x3  }
0x10: {  	s24 =	sadd.s32 $0x1C00, s21;
	s18 =	sadd.s32 $0xFA000, s7;
	s7 =	sadd.s32 $0x1980, s21  }
0x11: {  	s9 =	sadd.s32 $0x6400, s5;
	s3 =	sadd.s32 s17, s3;
	s8 =	sadd.s32 s17, s8  }
0x12: {  	v0 =	vlaneseq.u32;
	s11 =	sadd.s32 $0x12C00, s5;
	s22 =	sadd.s32 s17, s13;
	s14 =	sadd.s32 $0x19000, s5  }
0x13: {  	v2 =	vor.u32 $0x10, v0;
	v3 =	vadd.s32 $0x1C, v0;
	s25 =	sadd.s32 s17, s16;
	s16 =	sadd.s32 $0x1F400, s5;
	[dreg:$0x3] =	wrdreg s18  }
0x14: {  	v21 =	vor.u32 s24, v0;
	v22 =	vor.u32 s24, v2;
	v23 =	vor.u32 s24, v3;
	s24 =	sadd.s32 $0x32000, s5;
	[dreg:$0x4] =	wrdreg s9;
	s3 =	sadd.s32 $0xFA000, s3  }
0x15: {  	s9 =	sadd.s32 $0xC800, s5;
	s10 =	sadd.s32 $0xFA000, s8;
	s18 =	sadd.s32 $0x1A80, s21  }
0x16: {  	v33 =	vadd.s32 $0x18, v0;
	s8 =	sshrl.u32 s20, $0x3;
	s13 =	sadd.s32 $0xFA000, s22;
	s20 =	sshrl.u32 s15, $0x3  }
0x17: {  	v1 =	vor.u32 s26, v0;
	v4 =	vor.u32 s26, v2;
	v5 =	vor.u32 s26, v3;
	s22 =	sadd.s32 $0x1B80, s21;
	[dreg:$0x5] =	wrdreg s3;
	s3 =	sadd.s32 $0x1A00, s21  }
0x18: {  	v15 =	vor.u32 s19, v0;
	v16 =	vor.u32 s19, v2;
	v17 =	vor.u32 s19, v3;
	s8 =	sadd.s32 s17, s8;
	s26 =	sadd.s32 s17, s20;
	s20 =	sadd.s32 $0x190000, s6  }
0x19: {  	s6 =	sadd.s32 $0x1C2000, s6;
	v12 =	vor.u32 s18, v0;
	v13 =	vor.u32 s18, v2;
	v14 =	vor.u32 s18, v3;
	s18 =	sadd.s32 $0xFA000, s25;
	s25 =	sadd.s32 $0x1C80, s21  }
0x1a: {  	v18 =	vor.u32 s22, v0;
	v19 =	vor.u32 s22, v2;
	v20 =	vor.u32 s22, v3;
	s22 =	sadd.s32 $0x2BC00, s5;
	s12 =	sadd.s32 $0xFA000, s8;
	s8 =	sadd.s32 s17, s23  }
0x1b: {  	v6 =	vor.u32 s7, v0;
	v7 =	vor.u32 s7, v2;
	v8 =	vor.u32 s7, v3;
	s23 =	sshrl.u32 s20, $0x3;
	s6 =	sshrl.u32 s6, $0x3;
	s19 =	sadd.s32 $0xFA000, s26  }
0x1c: {  	s26 =	sadd.s32 $0x1D00, s21;
	v24 =	vor.u32 s25, v0;
	v25 =	vor.u32 s25, v2;
	v26 =	vor.u32 s25, v3;
	s25 =	sadd.s32 $0x38400, s5;
	s15 =	sadd.s32 $0xFA000, s8  }
0x1d: {  	v9 =	vor.u32 s3, v0;
	v10 =	vor.u32 s3, v2;
	v11 =	vor.u32 s3, v3;
	s3 =	sadd.s32 s17, s23;
	s6 =	sadd.s32 s17, s6;
	s17 =	sadd.s32 $0x25800, s5  }
0x1e: {  	s8 =	sadd.s32 $0x1D80, s21;
	v27 =	vor.u32 s26, v0;
	s23 =	smax.u32 s1, $0x1;
	v28 =	vor.u32 s26, v2;
	v29 =	vor.u32 s26, v3;
	s26 =	simm.s32 $0x3  }
0x1f: {  	s1 =	simm.s32 $0x0;
	s20 =	sadd.s32 $0xFA000, s3;
	s21 =	sadd.s32 $0xFA000, s6;
	v30 =	vor.u32 s8, v0;
	v31 =	vor.u32 s8, v2;
	v32 =	vor.u32 s8, v3  }
.LBB2_1:
0x20: {  	s0 =	rddreg [dreg:$0x0]  }
0x21: {  	[tilespmem:s4], [sflag:$0x3] =	stream.linear.gather [hbm4b:s0+s4], $0x5000, $0x38;
	[tilespmem:$0x11800] =	vst v63  }
0x22: {  	_ =	swait.ge [sflag:s26], $0x5000  }
0x23: {  	[sflag:s26] =	ssyncset.done $0x0  }
0x24: {  	s3 =	simm.s32 $0x0;
	s0 =	simm.s32 $0x5000;
	[sflag:s26] =	ssyncadd.s32 $0xFFFFB000  }
.LBB2_2:
0x25: {  	s6 =	sadd.s32 s2, s3  }
0x26: {  	s6 =	sshll.u32 s6, $0x7  }
0x27: {  	v34 =	vor.u32 s6, v0  }
0x28: {  	v35 =	vor.u32 s6, v2  }
0x29: {  	v38 =	vor.u32 s6, v3;
	_ =	sdelay $0x1  }
0x2a: {  	s7 =	simm.s32 $0x0  }
0x2b: {  	v36 =	vld.idx.msk [tilespmem:v34+s7+$0x0], $0xffff;
	v34 =	vmov s0  }
0x2c: {  	v37 =	vld.idx.msk [tilespmem:v35+s7+$0x0], $0xffff  }
0x2d: {  	v35 =	vld.idx.msk [tilespmem:v38+s7+$0x0], $0xffff;
	_ =	sdelay $0x1  }
0x2e: {  	s7 =	simm.s32 $0x0  }
0x2f: {  	[tilespmem:v34+s7+$0x0 ss:$0x1] =	vst.idx.msk $0xffff, v36  }
0x30: {  	s6 =	simm.s32 $0x200;
	[tilespmem:v34+s7+$0x10 ss:$0x1] =	vst.idx.msk $0xffff, v37  }
.LBB2_3:
0x31: {  	p0 =	sne.s32 s6, $0x4E00;
	[tilespmem:v34+s7+$0x1C ss:$0x1] =	vst.idx.msk $0xffff, v35;
	s7 =	smov.u32 s6;
	s6 =	sadd.s32 $0x200, s6  }
.Ltmp0:
0x32: {  	(pc) =	sbr.rel @p0 .LBB2_3-.Ltmp0, $4  }
0x33: {  	_ = 	snop  }
0x34: {  	s7 =	sshra.s32 s7, $0x2  }
0x35: {  	[tilespmem:v34+s7+$0x0 ss:$0x1] =	vst.idx.msk $0xffff, v36  }
0x36: {  	[tilespmem:v34+s7+$0x10 ss:$0x1] =	vst.idx.msk $0xffff, v37  }
0x37: {  	s3 =	sadd.s32 $0x1, s3  }
0x38: {  	p0 =	sne.s32 s3, $0x5  }
.Ltmp1:
0x39: {  	_ = 	snop;
	(pc) =	sbr.rel @p0 .LBB2_2-.Ltmp1, $2  }
0x3a: {  	_ =	sdelay $0x2  }
0x3b: {  	[tilespmem:v34+s7+$0x1C ss:$0x1] =	vst.idx.msk $0xffff, v35;
	s0 =	sadd.s32 $0x1400, s0  }
0x3c: {  	s0 =	simm.s32 $0x0  }
0x3d: {  	s0 =	smul.u32 $0xCD, s0;
	_ =	sdelay $0x1  }
0x3e: {  	s0 =	sshrl.u32 s0, $0xD  }
0x3f: {  	s0 =	sand.u32 $0x7, s0  }
0x40: {  	s0 =	smul.u32 $0x28, s0;
	_ =	sdelay $0x1  }
0x41: {  	s0 =	ssub.s32 $0x0, s0  }
0x42: {  	s0 =	sadd.s32 $0x64, s0  }
0x43: {  	s0 =	sand.u32 $0xFF, s0  }
0x44: {  	s7 =	sshll.u32 s0, $0x7  }
0x45: {  	v34 =	vor.u32 s7, v0;
	_ =	sdelay $0x4  }
0x46: {  	v35 =	vld.idx.msk [tilespmem:v34+s4+$0x0], $0xffff  }
0x47: {  	v34 =	vor.u32 s7, v2;
	_ =	sdelay $0x2  }
0x48: {  	s3 =	simm.s32 $0x1;
	s0 =	simm.s32 $0x5070  }
0x49: {  	s6 =	simm.s32 $0x2;
	s8 =	smul.u32 $0xCD, s3;
	[tilespmem:s0+$0xFFFFFFE8] =	vst v35  }
.LBB2_6:
0x4a: {  	p0 =	sne.s32 s6, $0xC7;
	v34 =	vld.idx.msk [tilespmem:v34+s4+$0x0], $0xffff  }
0x4b: {  	s8 =	sshrl.u32 s8, $0xD  }
0x4c: {  	v35 =	vor.u32 s7, v33;
	s8 =	sand.u32 $0x7, s8  }
0x4d: {  	s7 =	smul.u32 $0x28, s8;
	_ =	sdelay $0x1  }
0x4e: {  	s7 =	ssub.s32 s3, s7;
	s3 =	smov.u32 s6  }
0x4f: {  	s7 =	sadd.s32 $0x64, s7;
	[tilespmem:s0+$0xFFFFFFF8] =	vst v34  }
0x50: {  	s7 =	sand.u32 $0xFF, s7;
	v34 =	vld.idx.msk [tilespmem:v35+s4+$0x0], $0xffff  }
0x51: {  	s7 =	sshll.u32 s7, $0x7  }
0x52: {  	v35 =	vor.u32 s7, v0;
	_ =	sdelay $0x3  }
0x53: {  	[tilespmem:s0+$0x0] =	vst v34  }
0x54: {  	v35 =	vld.idx.msk [tilespmem:v35+s4+$0x0], $0xffff;
	_ =	sdelay $0x1  }
.Ltmp2:
0x55: {  	v34 =	vor.u32 s7, v2;
	(pc) =	sbr.rel @p0 .LBB2_6-.Ltmp2, $3  }
0x56: {  	_ =	sdelay $0x1  }
0x57: {  	s0 =	sadd.s32 $0x80, s0  }
0x58: {  	s6 =	sadd.s32 $0x1, s6;
	s8 =	smul.u32 $0xCD, s3;
	[tilespmem:s0+$0xFFFFFFE8] =	vst v35  }
0x59: {  	_ =	sdelay $0x2  }
0x5a: {  	s6 =	sshrl.u32 s8, $0xD  }
0x5b: {  	v34 =	vld.idx.msk [tilespmem:v34+s4+$0x0], $0xffff;
	s6 =	sand.u32 $0x7, s6  }
0x5c: {  	v35 =	vor.u32 s7, v33;
	s6 =	smul.u32 $0x28, s6;
	_ =	sdelay $0x1  }
0x5d: {  	s3 =	ssub.s32 s3, s6  }
0x5e: {  	s3 =	sadd.s32 $0x64, s3  }
0x5f: {  	[tilespmem:s0+$0xFFFFFFF8] =	vst v34;
	s3 =	sand.u32 $0xFF, s3  }
0x60: {  	v34 =	vld.idx.msk [tilespmem:v35+s4+$0x0], $0xffff;
	s3 =	sshll.u32 s3, $0x7  }
0x61: {  	v61 =	vor.u32 s3, v0;
	_ =	sdelay $0x3  }
0x62: {  	[tilespmem:s0+$0x0] =	vst v34  }
0x63: {  	v34 =	vld.idx.msk [tilespmem:v61+s4+$0x0], $0xffff  }
0x64: {  	v62 =	vor.u32 s3, v2;
	_ =	sdelay $0x2  }
0x65: {  	s7 =	sadd.s32 $0x80, s0  }
0x66: {  	[tilespmem:s7+$0xFFFFFFE8] =	vst v34  }
0x67: {  	v34 =	vld.idx.msk [tilespmem:v62+s4+$0x0], $0xffff  }
0x68: {  	v63 =	vor.u32 s3, v33;
	_ =	sdelay $0x3  }
0x69: {  	[tilespmem:s7+$0xFFFFFFF8] =	vst v34  }
0x6a: {  	v34 =	vld.idx.msk [tilespmem:v63+s4+$0x0], $0xffff;
	_ =	sdelay $0x4  }
0x6b: {  	s8 =	simm.s32 $0x0;
	[tilespmem:s7+$0x0] =	vst v34  }
0x6c: {  	v36 =	vld.idx.msk [tilespmem:v4+s8+$0x0], $0xffff;
	_ =	sdelay $0x3  }
0x6d: {  	s0 =	simm.s32 $0x0;
	v35 =	vld.idx.msk [tilespmem:v5+s8+$0x0], $0xffff  }
0x6e: {  	v34 =	vld.idx.msk [tilespmem:v1+s8+$0x0], $0xffff;
	[tilespmem:s0+$0x503C] =	vst v36  }
0x6f: {  	[tilespmem:s0+$0x50BC] =	vst v36  }
0x70: {  	[tilespmem:s0+$0x513C] =	vst v36  }
0x71: {  	[tilespmem:s0+$0x51BC] =	vst v36  }
0x72: {  	[tilespmem:s0+$0x5048] =	vst v35  }
0x73: {  	[tilespmem:s0+$0x50C8] =	vst v35  }
0x74: {  	s3 =	simm.s32 $0x800;
	[tilespmem:s0+$0x5148] =	vst v35  }
.LBB2_8:
0x75: {  	p0 =	sne.s32 s3, $0x18800;
	[tilespmem:s0+$0x51C8] =	vst v35  }
0x76: {  	[tilespmem:s0+$0x502C] =	vst v34  }
0x77: {  	[tilespmem:s0+$0x50AC] =	vst v34  }
0x78: {  	[tilespmem:s0+$0x512C] =	vst v34  }
0x79: {  	[tilespmem:s0+$0x51AC] =	vst v34;
	s0 =	sshra.s32 s3, $0x2  }
0x7a: {  	[tilespmem:s0+$0x503C] =	vst v36  }
0x7b: {  	[tilespmem:s0+$0x5048] =	vst v35  }
.Ltmp3:
0x7c: {  	[tilespmem:s0+$0x50BC] =	vst v36;
	(pc) =	sbr.rel @p0 .LBB2_8-.Ltmp3, $4  }
0x7d: {  	[tilespmem:s0+$0x50C8] =	vst v35  }
0x7e: {  	[tilespmem:s0+$0x513C] =	vst v36  }
0x7f: {  	[tilespmem:s0+$0x5148] =	vst v35  }
0x80: {  	s3 =	sadd.s32 $0x800, s3;
	[tilespmem:s0+$0x51BC] =	vst v36  }
0x81: {  	[tilespmem:s0+$0x51C8] =	vst v35  }
0x82: {  	[tilespmem:s0+$0x502C] =	vst v34  }
0x83: {  	[tilespmem:s0+$0x50AC] =	vst v34  }
0x84: {  	[tilespmem:s0+$0x512C] =	vst v34  }
0x85: {  	[tilespmem:s0+$0x51AC] =	vst v34;
	s0 =	simm.s32 $0x0  }
0x86: {  	[hbm4b:s5+s0] =	stream.linear.scatter [tilespmem:s28], [sflag:$0x1], $0x6400, $0x38;
	[tilespmem:$0x11800] =	vst v63  }
0x87: {  	s3 =	rddreg [dreg:$0x3]  }
0x88: {  	[hbm4b:s3+s0] =	stream.linear.scatter [tilespmem:s28], [sflag:$0x1], $0x6400, $0x38;
	[tilespmem:$0x11800] =	vst v63  }
0x89: {  	s6 =	simm.s32 $0x0;
	s3 =	simm.s32 $0xB400  }
.LBB2_10:
0x8a: {  	s7 =	sadd.s32 s2, s6  }
0x8b: {  	s7 =	sshll.u32 s7, $0x7  }
0x8c: {  	v34 =	vor.u32 s7, v0  }
0x8d: {  	v35 =	vor.u32 s7, v2  }
0x8e: {  	v38 =	vor.u32 s7, v3;
	_ =	sdelay $0x2  }
0x8f: {  	v36 =	vld.idx.msk [tilespmem:v34+s0+$0x0], $0xffff;
	v34 =	vmov s3  }
0x90: {  	v37 =	vld.idx.msk [tilespmem:v35+s0+$0x0], $0xffff  }
0x91: {  	v35 =	vld.idx.msk [tilespmem:v38+s0+$0x0], $0xffff;
	_ =	sdelay $0x1  }
0x92: {  	s8 =	simm.s32 $0x0  }
0x93: {  	[tilespmem:v34+s8+$0x0 ss:$0x1] =	vst.idx.msk $0xffff, v36  }
0x94: {  	s7 =	simm.s32 $0x200;
	[tilespmem:v34+s8+$0x10 ss:$0x1] =	vst.idx.msk $0xffff, v37  }
.LBB2_11:
0x95: {  	p0 =	sne.s32 s7, $0x4E00;
	[tilespmem:v34+s8+$0x1C ss:$0x1] =	vst.idx.msk $0xffff, v35;
	s8 =	smov.u32 s7;
	s7 =	sadd.s32 $0x200, s7  }
.Ltmp4:
0x96: {  	(pc) =	sbr.rel @p0 .LBB2_11-.Ltmp4, $4  }
0x97: {  	_ = 	snop  }
0x98: {  	s8 =	sshra.s32 s8, $0x2  }
0x99: {  	[tilespmem:v34+s8+$0x0 ss:$0x1] =	vst.idx.msk $0xffff, v36  }
0x9a: {  	[tilespmem:v34+s8+$0x10 ss:$0x1] =	vst.idx.msk $0xffff, v37  }
0x9b: {  	s6 =	sadd.s32 $0x1, s6  }
0x9c: {  	p0 =	sne.s32 s6, $0x5  }
.Ltmp5:
0x9d: {  	_ = 	snop;
	(pc) =	sbr.rel @p0 .LBB2_10-.Ltmp5, $2  }
0x9e: {  	_ =	sdelay $0x2  }
0x9f: {  	[tilespmem:v34+s8+$0x1C ss:$0x1] =	vst.idx.msk $0xffff, v35;
	s3 =	sadd.s32 $0x1400, s3  }
0xa0: {  	s0 =	simm.s32 $0x0  }
0xa1: {  	s0 =	smul.u32 $0xCD, s0;
	_ =	sdelay $0x1  }
0xa2: {  	s0 =	sshrl.u32 s0, $0xD  }
0xa3: {  	s0 =	sand.u32 $0x7, s0  }
0xa4: {  	s0 =	smul.u32 $0x28, s0;
	_ =	sdelay $0x1  }
0xa5: {  	s0 =	ssub.s32 $0x0, s0  }
0xa6: {  	s0 =	sadd.s32 $0x64, s0  }
0xa7: {  	s0 =	sand.u32 $0xFF, s0  }
0xa8: {  	s7 =	sshll.u32 s0, $0x7  }
0xa9: {  	v34 =	vor.u32 s7, v0;
	_ =	sdelay $0x4  }
0xaa: {  	v35 =	vld.idx.msk [tilespmem:v34+s4+$0x0], $0xffff  }
0xab: {  	v34 =	vor.u32 s7, v2;
	_ =	sdelay $0x2  }
0xac: {  	s3 =	simm.s32 $0x1;
	s0 =	simm.s32 $0xB470  }
0xad: {  	s6 =	simm.s32 $0x2;
	s8 =	smul.u32 $0xCD, s3;
	[tilespmem:s0+$0xFFFFFFE8] =	vst v35  }
.LBB2_14:
0xae: {  	p0 =	sne.s32 s6, $0xC7;
	v34 =	vld.idx.msk [tilespmem:v34+s4+$0x0], $0xffff  }
0xaf: {  	s8 =	sshrl.u32 s8, $0xD  }
0xb0: {  	v35 =	vor.u32 s7, v33;
	s8 =	sand.u32 $0x7, s8  }
0xb1: {  	s7 =	smul.u32 $0x28, s8;
	_ =	sdelay $0x1  }
0xb2: {  	s7 =	ssub.s32 s3, s7;
	s3 =	smov.u32 s6  }
0xb3: {  	s7 =	sadd.s32 $0x64, s7;
	[tilespmem:s0+$0xFFFFFFF8] =	vst v34  }
0xb4: {  	s7 =	sand.u32 $0xFF, s7;
	v34 =	vld.idx.msk [tilespmem:v35+s4+$0x0], $0xffff  }
0xb5: {  	s7 =	sshll.u32 s7, $0x7  }
0xb6: {  	v35 =	vor.u32 s7, v0;
	_ =	sdelay $0x3  }
0xb7: {  	[tilespmem:s0+$0x0] =	vst v34  }
0xb8: {  	v35 =	vld.idx.msk [tilespmem:v35+s4+$0x0], $0xffff;
	_ =	sdelay $0x1  }
.Ltmp6:
0xb9: {  	v34 =	vor.u32 s7, v2;
	(pc) =	sbr.rel @p0 .LBB2_14-.Ltmp6, $3  }
0xba: {  	_ =	sdelay $0x1  }
0xbb: {  	s0 =	sadd.s32 $0x80, s0  }
0xbc: {  	s6 =	sadd.s32 $0x1, s6;
	s8 =	smul.u32 $0xCD, s3;
	[tilespmem:s0+$0xFFFFFFE8] =	vst v35  }
0xbd: {  	_ =	sdelay $0x2  }
0xbe: {  	s6 =	sshrl.u32 s8, $0xD  }
0xbf: {  	v34 =	vld.idx.msk [tilespmem:v34+s4+$0x0], $0xffff;
	s6 =	sand.u32 $0x7, s6  }
0xc0: {  	v35 =	vor.u32 s7, v33;
	s6 =	smul.u32 $0x28, s6;
	_ =	sdelay $0x1  }
0xc1: {  	s3 =	ssub.s32 s3, s6  }
0xc2: {  	s3 =	sadd.s32 $0x64, s3  }
0xc3: {  	[tilespmem:s0+$0xFFFFFFF8] =	vst v34;
	s3 =	sand.u32 $0xFF, s3  }
0xc4: {  	v34 =	vld.idx.msk [tilespmem:v35+s4+$0x0], $0xffff;
	s3 =	sshll.u32 s3, $0x7  }
0xc5: {  	v61 =	vor.u32 s3, v0;
	_ =	sdelay $0x3  }
0xc6: {  	[tilespmem:s0+$0x0] =	vst v34  }
0xc7: {  	v34 =	vld.idx.msk [tilespmem:v61+s4+$0x0], $0xffff  }
0xc8: {  	v62 =	vor.u32 s3, v2;
	_ =	sdelay $0x2  }
0xc9: {  	s7 =	sadd.s32 $0x80, s0  }
0xca: {  	[tilespmem:s7+$0xFFFFFFE8] =	vst v34  }
0xcb: {  	v34 =	vld.idx.msk [tilespmem:v62+s4+$0x0], $0xffff  }
0xcc: {  	v63 =	vor.u32 s3, v33;
	_ =	sdelay $0x3  }
0xcd: {  	[tilespmem:s7+$0xFFFFFFF8] =	vst v34  }
0xce: {  	v34 =	vld.idx.msk [tilespmem:v63+s4+$0x0], $0xffff;
	_ =	sdelay $0x4  }
0xcf: {  	s8 =	simm.s32 $0x0;
	[tilespmem:s7+$0x0] =	vst v34  }
0xd0: {  	v36 =	vld.idx.msk [tilespmem:v7+s8+$0x0], $0xffff;
	_ =	sdelay $0x3  }
0xd1: {  	s0 =	simm.s32 $0x0;
	v35 =	vld.idx.msk [tilespmem:v8+s8+$0x0], $0xffff  }
0xd2: {  	v34 =	vld.idx.msk [tilespmem:v6+s8+$0x0], $0xffff;
	[tilespmem:s0+$0xB43C] =	vst v36  }
0xd3: {  	[tilespmem:s0+$0xB4BC] =	vst v36  }
0xd4: {  	[tilespmem:s0+$0xB53C] =	vst v36  }
0xd5: {  	[tilespmem:s0+$0xB5BC] =	vst v36  }
0xd6: {  	[tilespmem:s0+$0xB448] =	vst v35  }
0xd7: {  	[tilespmem:s0+$0xB4C8] =	vst v35  }
0xd8: {  	s3 =	simm.s32 $0x800;
	[tilespmem:s0+$0xB548] =	vst v35  }
.LBB2_16:
0xd9: {  	p0 =	sne.s32 s3, $0x18800;
	[tilespmem:s0+$0xB5C8] =	vst v35  }
0xda: {  	[tilespmem:s0+$0xB42C] =	vst v34  }
0xdb: {  	[tilespmem:s0+$0xB4AC] =	vst v34  }
0xdc: {  	[tilespmem:s0+$0xB52C] =	vst v34  }
0xdd: {  	[tilespmem:s0+$0xB5AC] =	vst v34;
	s0 =	sshra.s32 s3, $0x2  }
0xde: {  	[tilespmem:s0+$0xB43C] =	vst v36  }
0xdf: {  	[tilespmem:s0+$0xB448] =	vst v35  }
.Ltmp7:
0xe0: {  	[tilespmem:s0+$0xB4BC] =	vst v36;
	(pc) =	sbr.rel @p0 .LBB2_16-.Ltmp7, $4  }
0xe1: {  	[tilespmem:s0+$0xB4C8] =	vst v35  }
0xe2: {  	[tilespmem:s0+$0xB53C] =	vst v36  }
0xe3: {  	[tilespmem:s0+$0xB548] =	vst v35  }
0xe4: {  	s3 =	sadd.s32 $0x800, s3;
	[tilespmem:s0+$0xB5BC] =	vst v36  }
0xe5: {  	[tilespmem:s0+$0xB5C8] =	vst v35  }
0xe6: {  	[tilespmem:s0+$0xB42C] =	vst v34  }
0xe7: {  	[tilespmem:s0+$0xB4AC] =	vst v34  }
0xe8: {  	[tilespmem:s0+$0xB52C] =	vst v34  }
0xe9: {  	[tilespmem:s0+$0xB5AC] =	vst v34;
	s7 =	simm.s32 $0x0;
	s3 =	rddreg [dreg:$0x4]  }
0xea: {  	[hbm4b:s3+s7] =	stream.linear.scatter [tilespmem:s29], [sflag:$0x2], $0x6400, $0x38;
	[tilespmem:$0x11800] =	vst v63  }
0xeb: {  	s8 =	rddreg [dreg:$0x5]  }
0xec: {  	[hbm4b:s8+s7] =	stream.linear.scatter [tilespmem:s29], [sflag:$0x2], $0x6400, $0x38;
	[tilespmem:$0x11800] =	vst v63  }
0xed: {  	_ =	swait.ge [sflag:s30], $0x6400  }
0xee: {  	[sflag:s30] =	ssyncset.done $0x0  }
0xef: {  	[sflag:s30] =	ssyncadd.s32 $0xFFFF9C00  }
0xf0: {  	_ =	swait.ge [sflag:s30], $0x6400  }
0xf1: {  	[sflag:s30] =	ssyncset.done $0x0  }
0xf2: {  	[sflag:s30] =	ssyncadd.s32 $0xFFFF9C00  }
0xf3: {  	v36 =	vld.idx.msk [tilespmem:v10+s7+$0x0], $0xffff;
	_ =	sdelay $0x3  }
0xf4: {  	s0 =	simm.s32 $0x0;
	v35 =	vld.idx.msk [tilespmem:v11+s7+$0x0], $0xffff  }
0xf5: {  	v34 =	vld.idx.msk [tilespmem:v9+s7+$0x0], $0xffff;
	[tilespmem:s0+$0x503C] =	vst v36  }
0xf6: {  	[tilespmem:s0+$0x50BC] =	vst v36  }
0xf7: {  	[tilespmem:s0+$0x513C] =	vst v36  }
0xf8: {  	[tilespmem:s0+$0x51BC] =	vst v36  }
0xf9: {  	[tilespmem:s0+$0x5048] =	vst v35  }
0xfa: {  	[tilespmem:s0+$0x50C8] =	vst v35  }
0xfb: {  	s3 =	simm.s32 $0x800;
	[tilespmem:s0+$0x5148] =	vst v35  }
.LBB2_18:
0xfc: {  	p0 =	sne.s32 s3, $0x18800;
	[tilespmem:s0+$0x51C8] =	vst v35  }
0xfd: {  	[tilespmem:s0+$0x502C] =	vst v34  }
0xfe: {  	[tilespmem:s0+$0x50AC] =	vst v34  }
0xff: {  	[tilespmem:s0+$0x512C] =	vst v34  }
0x100: {  	[tilespmem:s0+$0x51AC] =	vst v34;
	s0 =	sshra.s32 s3, $0x2  }
0x101: {  	[tilespmem:s0+$0x503C] =	vst v36  }
0x102: {  	[tilespmem:s0+$0x5048] =	vst v35  }
.Ltmp8:
0x103: {  	[tilespmem:s0+$0x50BC] =	vst v36;
	(pc) =	sbr.rel @p0 .LBB2_18-.Ltmp8, $4  }
0x104: {  	[tilespmem:s0+$0x50C8] =	vst v35  }
0x105: {  	[tilespmem:s0+$0x513C] =	vst v36  }
0x106: {  	[tilespmem:s0+$0x5148] =	vst v35  }
0x107: {  	s3 =	sadd.s32 $0x800, s3;
	[tilespmem:s0+$0x51BC] =	vst v36  }
0x108: {  	[tilespmem:s0+$0x51C8] =	vst v35  }
0x109: {  	[tilespmem:s0+$0x502C] =	vst v34  }
0x10a: {  	[tilespmem:s0+$0x50AC] =	vst v34  }
0x10b: {  	[tilespmem:s0+$0x512C] =	vst v34  }
0x10c: {  	[tilespmem:s0+$0x51AC] =	vst v34;
	s8 =	simm.s32 $0x0  }
0x10d: {  	[hbm4b:s9+s8] =	stream.linear.scatter [tilespmem:s28], [sflag:$0x1], $0x6400, $0x38;
	[tilespmem:$0x11800] =	vst v63  }
0x10e: {  	_ = 	snop  }
0x10f: {  	[hbm4b:s10+s8] =	stream.linear.scatter [tilespmem:s28], [sflag:$0x1], $0x6400, $0x38;
	[tilespmem:$0x11800] =	vst v63  }
0x110: {  	_ =	swait.ge [sflag:s31], $0x6400  }
0x111: {  	[sflag:s31] =	ssyncset.done $0x0  }
0x112: {  	[sflag:s31] =	ssyncadd.s32 $0xFFFF9C00  }
0x113: {  	_ =	swait.ge [sflag:s31], $0x6400  }
0x114: {  	[sflag:s31] =	ssyncset.done $0x0  }
0x115: {  	[sflag:s31] =	ssyncadd.s32 $0xFFFF9C00  }
0x116: {  	v36 =	vld.idx.msk [tilespmem:v13+s8+$0x0], $0xffff;
	_ =	sdelay $0x3  }
0x117: {  	s0 =	simm.s32 $0x0;
	v35 =	vld.idx.msk [tilespmem:v14+s8+$0x0], $0xffff  }
0x118: {  	v34 =	vld.idx.msk [tilespmem:v12+s8+$0x0], $0xffff;
	[tilespmem:s0+$0xB43C] =	vst v36  }
0x119: {  	[tilespmem:s0+$0xB4BC] =	vst v36  }
0x11a: {  	[tilespmem:s0+$0xB53C] =	vst v36  }
0x11b: {  	[tilespmem:s0+$0xB5BC] =	vst v36  }
0x11c: {  	[tilespmem:s0+$0xB448] =	vst v35  }
0x11d: {  	[tilespmem:s0+$0xB4C8] =	vst v35  }
0x11e: {  	s3 =	simm.s32 $0x800;
	[tilespmem:s0+$0xB548] =	vst v35  }
.LBB2_20:
0x11f: {  	p0 =	sne.s32 s3, $0x18800;
	[tilespmem:s0+$0xB5C8] =	vst v35  }
0x120: {  	[tilespmem:s0+$0xB42C] =	vst v34  }
0x121: {  	[tilespmem:s0+$0xB4AC] =	vst v34  }
0x122: {  	[tilespmem:s0+$0xB52C] =	vst v34  }
0x123: {  	[tilespmem:s0+$0xB5AC] =	vst v34;
	s0 =	sshra.s32 s3, $0x2  }
0x124: {  	[tilespmem:s0+$0xB43C] =	vst v36  }
0x125: {  	[tilespmem:s0+$0xB448] =	vst v35  }
.Ltmp9:
0x126: {  	[tilespmem:s0+$0xB4BC] =	vst v36;
	(pc) =	sbr.rel @p0 .LBB2_20-.Ltmp9, $4  }
0x127: {  	[tilespmem:s0+$0xB4C8] =	vst v35  }
0x128: {  	[tilespmem:s0+$0xB53C] =	vst v36  }
0x129: {  	[tilespmem:s0+$0xB548] =	vst v35  }
0x12a: {  	s3 =	sadd.s32 $0x800, s3;
	[tilespmem:s0+$0xB5BC] =	vst v36  }
0x12b: {  	[tilespmem:s0+$0xB5C8] =	vst v35  }
0x12c: {  	[tilespmem:s0+$0xB42C] =	vst v34  }
0x12d: {  	[tilespmem:s0+$0xB4AC] =	vst v34  }
0x12e: {  	[tilespmem:s0+$0xB52C] =	vst v34  }
0x12f: {  	[tilespmem:s0+$0xB5AC] =	vst v34;
	s8 =	simm.s32 $0x0  }
0x130: {  	[hbm4b:s11+s8] =	stream.linear.scatter [tilespmem:s29], [sflag:$0x2], $0x6400, $0x38;
	[tilespmem:$0x11800] =	vst v63  }
0x131: {  	_ = 	snop  }
0x132: {  	[hbm4b:s12+s8] =	stream.linear.scatter [tilespmem:s29], [sflag:$0x2], $0x6400, $0x38;
	[tilespmem:$0x11800] =	vst v63  }
0x133: {  	_ =	swait.ge [sflag:s30], $0x6400  }
0x134: {  	[sflag:s30] =	ssyncset.done $0x0  }
0x135: {  	[sflag:s30] =	ssyncadd.s32 $0xFFFF9C00  }
0x136: {  	_ =	swait.ge [sflag:s30], $0x6400  }
0x137: {  	[sflag:s30] =	ssyncset.done $0x0  }
0x138: {  	[sflag:s30] =	ssyncadd.s32 $0xFFFF9C00  }
0x139: {  	v36 =	vld.idx.msk [tilespmem:v16+s8+$0x0], $0xffff;
	_ =	sdelay $0x3  }
0x13a: {  	s0 =	simm.s32 $0x0;
	v35 =	vld.idx.msk [tilespmem:v17+s8+$0x0], $0xffff  }
0x13b: {  	v34 =	vld.idx.msk [tilespmem:v15+s8+$0x0], $0xffff;
	[tilespmem:s0+$0x503C] =	vst v36  }
0x13c: {  	[tilespmem:s0+$0x50BC] =	vst v36  }
0x13d: {  	[tilespmem:s0+$0x513C] =	vst v36  }
0x13e: {  	[tilespmem:s0+$0x51BC] =	vst v36  }
0x13f: {  	[tilespmem:s0+$0x5048] =	vst v35  }
0x140: {  	[tilespmem:s0+$0x50C8] =	vst v35  }
0x141: {  	s3 =	simm.s32 $0x800;
	[tilespmem:s0+$0x5148] =	vst v35  }
.LBB2_22:
0x142: {  	p0 =	sne.s32 s3, $0x18800;
	[tilespmem:s0+$0x51C8] =	vst v35  }
0x143: {  	[tilespmem:s0+$0x502C] =	vst v34  }
0x144: {  	[tilespmem:s0+$0x50AC] =	vst v34  }
0x145: {  	[tilespmem:s0+$0x512C] =	vst v34  }
0x146: {  	[tilespmem:s0+$0x51AC] =	vst v34;
	s0 =	sshra.s32 s3, $0x2  }
0x147: {  	[tilespmem:s0+$0x503C] =	vst v36  }
0x148: {  	[tilespmem:s0+$0x5048] =	vst v35  }
.Ltmp10:
0x149: {  	[tilespmem:s0+$0x50BC] =	vst v36;
	(pc) =	sbr.rel @p0 .LBB2_22-.Ltmp10, $4  }
0x14a: {  	[tilespmem:s0+$0x50C8] =	vst v35  }
0x14b: {  	[tilespmem:s0+$0x513C] =	vst v36  }
0x14c: {  	[tilespmem:s0+$0x5148] =	vst v35  }
0x14d: {  	s3 =	sadd.s32 $0x800, s3;
	[tilespmem:s0+$0x51BC] =	vst v36  }
0x14e: {  	[tilespmem:s0+$0x51C8] =	vst v35  }
0x14f: {  	[tilespmem:s0+$0x502C] =	vst v34  }
0x150: {  	[tilespmem:s0+$0x50AC] =	vst v34  }
0x151: {  	[tilespmem:s0+$0x512C] =	vst v34  }
0x152: {  	[tilespmem:s0+$0x51AC] =	vst v34;
	s8 =	simm.s32 $0x0  }
0x153: {  	[hbm4b:s14+s8] =	stream.linear.scatter [tilespmem:s28], [sflag:$0x1], $0x6400, $0x38;
	[tilespmem:$0x11800] =	vst v63  }
0x154: {  	_ = 	snop  }
0x155: {  	[hbm4b:s13+s8] =	stream.linear.scatter [tilespmem:s28], [sflag:$0x1], $0x6400, $0x38;
	[tilespmem:$0x11800] =	vst v63  }
0x156: {  	_ =	swait.ge [sflag:s31], $0x6400  }
0x157: {  	[sflag:s31] =	ssyncset.done $0x0  }
0x158: {  	[sflag:s31] =	ssyncadd.s32 $0xFFFF9C00  }
0x159: {  	_ =	swait.ge [sflag:s31], $0x6400  }
0x15a: {  	[sflag:s31] =	ssyncset.done $0x0  }
0x15b: {  	[sflag:s31] =	ssyncadd.s32 $0xFFFF9C00  }
0x15c: {  	v36 =	vld.idx.msk [tilespmem:v19+s8+$0x0], $0xffff;
	_ =	sdelay $0x3  }
0x15d: {  	s0 =	simm.s32 $0x0;
	v35 =	vld.idx.msk [tilespmem:v20+s8+$0x0], $0xffff  }
0x15e: {  	v34 =	vld.idx.msk [tilespmem:v18+s8+$0x0], $0xffff;
	[tilespmem:s0+$0xB43C] =	vst v36  }
0x15f: {  	[tilespmem:s0+$0xB4BC] =	vst v36  }
0x160: {  	[tilespmem:s0+$0xB53C] =	vst v36  }
0x161: {  	[tilespmem:s0+$0xB5BC] =	vst v36  }
0x162: {  	[tilespmem:s0+$0xB448] =	vst v35  }
0x163: {  	[tilespmem:s0+$0xB4C8] =	vst v35  }
0x164: {  	s3 =	simm.s32 $0x800;
	[tilespmem:s0+$0xB548] =	vst v35  }
.LBB2_24:
0x165: {  	p0 =	sne.s32 s3, $0x18800;
	[tilespmem:s0+$0xB5C8] =	vst v35  }
0x166: {  	[tilespmem:s0+$0xB42C] =	vst v34  }
0x167: {  	[tilespmem:s0+$0xB4AC] =	vst v34  }
0x168: {  	[tilespmem:s0+$0xB52C] =	vst v34  }
0x169: {  	[tilespmem:s0+$0xB5AC] =	vst v34;
	s0 =	sshra.s32 s3, $0x2  }
0x16a: {  	[tilespmem:s0+$0xB43C] =	vst v36  }
0x16b: {  	[tilespmem:s0+$0xB448] =	vst v35  }
.Ltmp11:
0x16c: {  	[tilespmem:s0+$0xB4BC] =	vst v36;
	(pc) =	sbr.rel @p0 .LBB2_24-.Ltmp11, $4  }
0x16d: {  	[tilespmem:s0+$0xB4C8] =	vst v35  }
0x16e: {  	[tilespmem:s0+$0xB53C] =	vst v36  }
0x16f: {  	[tilespmem:s0+$0xB548] =	vst v35  }
0x170: {  	s3 =	sadd.s32 $0x800, s3;
	[tilespmem:s0+$0xB5BC] =	vst v36  }
0x171: {  	[tilespmem:s0+$0xB5C8] =	vst v35  }
0x172: {  	[tilespmem:s0+$0xB42C] =	vst v34  }
0x173: {  	[tilespmem:s0+$0xB4AC] =	vst v34  }
0x174: {  	[tilespmem:s0+$0xB52C] =	vst v34  }
0x175: {  	[tilespmem:s0+$0xB5AC] =	vst v34;
	s8 =	simm.s32 $0x0  }
0x176: {  	[hbm4b:s16+s8] =	stream.linear.scatter [tilespmem:s29], [sflag:$0x2], $0x6400, $0x38;
	[tilespmem:$0x11800] =	vst v63  }
0x177: {  	_ = 	snop  }
0x178: {  	[hbm4b:s15+s8] =	stream.linear.scatter [tilespmem:s29], [sflag:$0x2], $0x6400, $0x38;
	[tilespmem:$0x11800] =	vst v63  }
0x179: {  	_ =	swait.ge [sflag:s30], $0x6400  }
0x17a: {  	[sflag:s30] =	ssyncset.done $0x0  }
0x17b: {  	[sflag:s30] =	ssyncadd.s32 $0xFFFF9C00  }
0x17c: {  	_ =	swait.ge [sflag:s30], $0x6400  }
0x17d: {  	[sflag:s30] =	ssyncset.done $0x0  }
0x17e: {  	[sflag:s30] =	ssyncadd.s32 $0xFFFF9C00  }
0x17f: {  	v36 =	vld.idx.msk [tilespmem:v22+s8+$0x0], $0xffff;
	_ =	sdelay $0x3  }
0x180: {  	s0 =	simm.s32 $0x0;
	v35 =	vld.idx.msk [tilespmem:v23+s8+$0x0], $0xffff  }
0x181: {  	v34 =	vld.idx.msk [tilespmem:v21+s8+$0x0], $0xffff;
	[tilespmem:s0+$0x503C] =	vst v36  }
0x182: {  	[tilespmem:s0+$0x50BC] =	vst v36  }
0x183: {  	[tilespmem:s0+$0x513C] =	vst v36  }
0x184: {  	[tilespmem:s0+$0x51BC] =	vst v36  }
0x185: {  	[tilespmem:s0+$0x5048] =	vst v35  }
0x186: {  	[tilespmem:s0+$0x50C8] =	vst v35  }
0x187: {  	s3 =	simm.s32 $0x800;
	[tilespmem:s0+$0x5148] =	vst v35  }
.LBB2_26:
0x188: {  	p0 =	sne.s32 s3, $0x18800;
	[tilespmem:s0+$0x51C8] =	vst v35  }
0x189: {  	[tilespmem:s0+$0x502C] =	vst v34  }
0x18a: {  	[tilespmem:s0+$0x50AC] =	vst v34  }
0x18b: {  	[tilespmem:s0+$0x512C] =	vst v34  }
0x18c: {  	[tilespmem:s0+$0x51AC] =	vst v34;
	s0 =	sshra.s32 s3, $0x2  }
0x18d: {  	[tilespmem:s0+$0x503C] =	vst v36  }
0x18e: {  	[tilespmem:s0+$0x5048] =	vst v35  }
.Ltmp12:
0x18f: {  	[tilespmem:s0+$0x50BC] =	vst v36;
	(pc) =	sbr.rel @p0 .LBB2_26-.Ltmp12, $4  }
0x190: {  	[tilespmem:s0+$0x50C8] =	vst v35  }
0x191: {  	[tilespmem:s0+$0x513C] =	vst v36  }
0x192: {  	[tilespmem:s0+$0x5148] =	vst v35  }
0x193: {  	s3 =	sadd.s32 $0x800, s3;
	[tilespmem:s0+$0x51BC] =	vst v36  }
0x194: {  	[tilespmem:s0+$0x51C8] =	vst v35  }
0x195: {  	[tilespmem:s0+$0x502C] =	vst v34  }
0x196: {  	[tilespmem:s0+$0x50AC] =	vst v34  }
0x197: {  	[tilespmem:s0+$0x512C] =	vst v34  }
0x198: {  	[tilespmem:s0+$0x51AC] =	vst v34;
	s8 =	simm.s32 $0x0  }
0x199: {  	[hbm4b:s17+s8] =	stream.linear.scatter [tilespmem:s28], [sflag:$0x1], $0x6400, $0x38;
	[tilespmem:$0x11800] =	vst v63  }
0x19a: {  	_ = 	snop  }
0x19b: {  	[hbm4b:s18+s8] =	stream.linear.scatter [tilespmem:s28], [sflag:$0x1], $0x6400, $0x38;
	[tilespmem:$0x11800] =	vst v63  }
0x19c: {  	_ =	swait.ge [sflag:s31], $0x6400  }
0x19d: {  	[sflag:s31] =	ssyncset.done $0x0  }
0x19e: {  	[sflag:s31] =	ssyncadd.s32 $0xFFFF9C00  }
0x19f: {  	_ =	swait.ge [sflag:s31], $0x6400  }
0x1a0: {  	[sflag:s31] =	ssyncset.done $0x0  }
0x1a1: {  	[sflag:s31] =	ssyncadd.s32 $0xFFFF9C00  }
0x1a2: {  	v36 =	vld.idx.msk [tilespmem:v25+s8+$0x0], $0xffff;
	_ =	sdelay $0x3  }
0x1a3: {  	s0 =	simm.s32 $0x0;
	v35 =	vld.idx.msk [tilespmem:v26+s8+$0x0], $0xffff  }
0x1a4: {  	v34 =	vld.idx.msk [tilespmem:v24+s8+$0x0], $0xffff;
	[tilespmem:s0+$0xB43C] =	vst v36  }
0x1a5: {  	[tilespmem:s0+$0xB4BC] =	vst v36  }
0x1a6: {  	[tilespmem:s0+$0xB53C] =	vst v36  }
0x1a7: {  	[tilespmem:s0+$0xB5BC] =	vst v36  }
0x1a8: {  	[tilespmem:s0+$0xB448] =	vst v35  }
0x1a9: {  	[tilespmem:s0+$0xB4C8] =	vst v35  }
0x1aa: {  	s3 =	simm.s32 $0x800;
	[tilespmem:s0+$0xB548] =	vst v35  }
.LBB2_28:
0x1ab: {  	p0 =	sne.s32 s3, $0x18800;
	[tilespmem:s0+$0xB5C8] =	vst v35  }
0x1ac: {  	[tilespmem:s0+$0xB42C] =	vst v34  }
0x1ad: {  	[tilespmem:s0+$0xB4AC] =	vst v34  }
0x1ae: {  	[tilespmem:s0+$0xB52C] =	vst v34  }
0x1af: {  	[tilespmem:s0+$0xB5AC] =	vst v34;
	s0 =	sshra.s32 s3, $0x2  }
0x1b0: {  	[tilespmem:s0+$0xB43C] =	vst v36  }
0x1b1: {  	[tilespmem:s0+$0xB448] =	vst v35  }
.Ltmp13:
0x1b2: {  	[tilespmem:s0+$0xB4BC] =	vst v36;
	(pc) =	sbr.rel @p0 .LBB2_28-.Ltmp13, $4  }
0x1b3: {  	[tilespmem:s0+$0xB4C8] =	vst v35  }
0x1b4: {  	[tilespmem:s0+$0xB53C] =	vst v36  }
0x1b5: {  	[tilespmem:s0+$0xB548] =	vst v35  }
0x1b6: {  	s3 =	sadd.s32 $0x800, s3;
	[tilespmem:s0+$0xB5BC] =	vst v36  }
0x1b7: {  	[tilespmem:s0+$0xB5C8] =	vst v35  }
0x1b8: {  	[tilespmem:s0+$0xB42C] =	vst v34  }
0x1b9: {  	[tilespmem:s0+$0xB4AC] =	vst v34  }
0x1ba: {  	[tilespmem:s0+$0xB52C] =	vst v34  }
0x1bb: {  	[tilespmem:s0+$0xB5AC] =	vst v34;
	s8 =	simm.s32 $0x0  }
0x1bc: {  	[hbm4b:s22+s8] =	stream.linear.scatter [tilespmem:s29], [sflag:$0x2], $0x6400, $0x38;
	[tilespmem:$0x11800] =	vst v63  }
0x1bd: {  	_ = 	snop  }
0x1be: {  	[hbm4b:s19+s8] =	stream.linear.scatter [tilespmem:s29], [sflag:$0x2], $0x6400, $0x38;
	[tilespmem:$0x11800] =	vst v63  }
0x1bf: {  	_ =	swait.ge [sflag:s30], $0x6400  }
0x1c0: {  	[sflag:s30] =	ssyncset.done $0x0  }
0x1c1: {  	[sflag:s30] =	ssyncadd.s32 $0xFFFF9C00  }
0x1c2: {  	_ =	swait.ge [sflag:s30], $0x6400  }
0x1c3: {  	[sflag:s30] =	ssyncset.done $0x0  }
0x1c4: {  	[sflag:s30] =	ssyncadd.s32 $0xFFFF9C00  }
0x1c5: {  	v36 =	vld.idx.msk [tilespmem:v28+s8+$0x0], $0xffff;
	_ =	sdelay $0x3  }
0x1c6: {  	s0 =	simm.s32 $0x0;
	v35 =	vld.idx.msk [tilespmem:v29+s8+$0x0], $0xffff  }
0x1c7: {  	v34 =	vld.idx.msk [tilespmem:v27+s8+$0x0], $0xffff;
	[tilespmem:s0+$0x503C] =	vst v36  }
0x1c8: {  	[tilespmem:s0+$0x50BC] =	vst v36  }
0x1c9: {  	[tilespmem:s0+$0x513C] =	vst v36  }
0x1ca: {  	[tilespmem:s0+$0x51BC] =	vst v36  }
0x1cb: {  	[tilespmem:s0+$0x5048] =	vst v35  }
0x1cc: {  	[tilespmem:s0+$0x50C8] =	vst v35  }
0x1cd: {  	s3 =	simm.s32 $0x800;
	[tilespmem:s0+$0x5148] =	vst v35  }
.LBB2_30:
0x1ce: {  	p0 =	sne.s32 s3, $0x18800;
	[tilespmem:s0+$0x51C8] =	vst v35  }
0x1cf: {  	[tilespmem:s0+$0x502C] =	vst v34  }
0x1d0: {  	[tilespmem:s0+$0x50AC] =	vst v34  }
0x1d1: {  	[tilespmem:s0+$0x512C] =	vst v34  }
0x1d2: {  	[tilespmem:s0+$0x51AC] =	vst v34;
	s0 =	sshra.s32 s3, $0x2  }
0x1d3: {  	[tilespmem:s0+$0x503C] =	vst v36  }
0x1d4: {  	[tilespmem:s0+$0x5048] =	vst v35  }
.Ltmp14:
0x1d5: {  	[tilespmem:s0+$0x50BC] =	vst v36;
	(pc) =	sbr.rel @p0 .LBB2_30-.Ltmp14, $4  }
0x1d6: {  	[tilespmem:s0+$0x50C8] =	vst v35  }
0x1d7: {  	[tilespmem:s0+$0x513C] =	vst v36  }
0x1d8: {  	[tilespmem:s0+$0x5148] =	vst v35  }
0x1d9: {  	s3 =	sadd.s32 $0x800, s3;
	[tilespmem:s0+$0x51BC] =	vst v36  }
0x1da: {  	[tilespmem:s0+$0x51C8] =	vst v35  }
0x1db: {  	[tilespmem:s0+$0x502C] =	vst v34  }
0x1dc: {  	[tilespmem:s0+$0x50AC] =	vst v34  }
0x1dd: {  	[tilespmem:s0+$0x512C] =	vst v34  }
0x1de: {  	[tilespmem:s0+$0x51AC] =	vst v34;
	s8 =	simm.s32 $0x0  }
0x1df: {  	[hbm4b:s24+s8] =	stream.linear.scatter [tilespmem:s28], [sflag:$0x1], $0x6400, $0x38;
	[tilespmem:$0x11800] =	vst v63  }
0x1e0: {  	_ = 	snop  }
0x1e1: {  	[hbm4b:s20+s8] =	stream.linear.scatter [tilespmem:s28], [sflag:$0x1], $0x6400, $0x38;
	[tilespmem:$0x11800] =	vst v63  }
0x1e2: {  	_ =	swait.ge [sflag:s31], $0x6400  }
0x1e3: {  	[sflag:s31] =	ssyncset.done $0x0  }
0x1e4: {  	[sflag:s31] =	ssyncadd.s32 $0xFFFF9C00  }
0x1e5: {  	_ =	swait.ge [sflag:s31], $0x6400  }
0x1e6: {  	[sflag:s31] =	ssyncset.done $0x0  }
0x1e7: {  	[sflag:s31] =	ssyncadd.s32 $0xFFFF9C00  }
0x1e8: {  	v36 =	vld.idx.msk [tilespmem:v31+s8+$0x0], $0xffff;
	_ =	sdelay $0x3  }
0x1e9: {  	s0 =	simm.s32 $0x0;
	v35 =	vld.idx.msk [tilespmem:v32+s8+$0x0], $0xffff  }
0x1ea: {  	v34 =	vld.idx.msk [tilespmem:v30+s8+$0x0], $0xffff;
	[tilespmem:s0+$0xB43C] =	vst v36  }
0x1eb: {  	[tilespmem:s0+$0xB4BC] =	vst v36  }
0x1ec: {  	[tilespmem:s0+$0xB53C] =	vst v36  }
0x1ed: {  	[tilespmem:s0+$0xB5BC] =	vst v36  }
0x1ee: {  	[tilespmem:s0+$0xB448] =	vst v35  }
0x1ef: {  	[tilespmem:s0+$0xB4C8] =	vst v35  }
0x1f0: {  	s3 =	simm.s32 $0x800;
	[tilespmem:s0+$0xB548] =	vst v35  }
.LBB2_32:
0x1f1: {  	p0 =	sne.s32 s3, $0x18800;
	[tilespmem:s0+$0xB5C8] =	vst v35  }
0x1f2: {  	[tilespmem:s0+$0xB42C] =	vst v34  }
0x1f3: {  	[tilespmem:s0+$0xB4AC] =	vst v34  }
0x1f4: {  	[tilespmem:s0+$0xB52C] =	vst v34  }
0x1f5: {  	[tilespmem:s0+$0xB5AC] =	vst v34;
	s0 =	sshra.s32 s3, $0x2  }
0x1f6: {  	[tilespmem:s0+$0xB43C] =	vst v36  }
0x1f7: {  	[tilespmem:s0+$0xB448] =	vst v35  }
.Ltmp15:
0x1f8: {  	[tilespmem:s0+$0xB4BC] =	vst v36;
	(pc) =	sbr.rel @p0 .LBB2_32-.Ltmp15, $4  }
0x1f9: {  	[tilespmem:s0+$0xB4C8] =	vst v35  }
0x1fa: {  	[tilespmem:s0+$0xB53C] =	vst v36  }
0x1fb: {  	[tilespmem:s0+$0xB548] =	vst v35  }
0x1fc: {  	s3 =	sadd.s32 $0x800, s3;
	[tilespmem:s0+$0xB5BC] =	vst v36  }
0x1fd: {  	[tilespmem:s0+$0xB5C8] =	vst v35  }
0x1fe: {  	[tilespmem:s0+$0xB42C] =	vst v34  }
0x1ff: {  	[tilespmem:s0+$0xB4AC] =	vst v34  }
0x200: {  	[tilespmem:s0+$0xB52C] =	vst v34  }
0x201: {  	[tilespmem:s0+$0xB5AC] =	vst v34  }
0x202: {  	[hbm4b:s25+s4] =	stream.linear.scatter [tilespmem:s29], [sflag:$0x2], $0x6400, $0x38;
	[tilespmem:$0x11800] =	vst v63  }
0x203: {  	_ = 	snop  }
0x204: {  	[hbm4b:s21+s4] =	stream.linear.scatter [tilespmem:s29], [sflag:$0x2], $0x6400, $0x38;
	[tilespmem:$0x11800] =	vst v63  }
0x205: {  	_ =	swait.ge [sflag:s30], $0x6400  }
0x206: {  	[sflag:s30] =	ssyncset.done $0x0  }
0x207: {  	[sflag:s30] =	ssyncadd.s32 $0xFFFF9C00  }
0x208: {  	_ =	swait.ge [sflag:s30], $0x6400  }
0x209: {  	[sflag:s30] =	ssyncset.done $0x0  }
0x20a: {  	s1 =	sadd.s32 $0x1, s1;
	[sflag:s30] =	ssyncadd.s32 $0xFFFF9C00  }
0x20b: {  	p0 =	sne.s32 s1, s23;
	_ =	swait.ge [sflag:s31], $0x6400  }
.Ltmp16:
0x20c: {  	[sflag:s31] =	ssyncset.done $0x0;
	(pc) =	sbr.rel @p0 .LBB2_1-.Ltmp16, $4  }
0x20d: {  	[sflag:s31] =	ssyncadd.s32 $0xFFFF9C00  }
0x20e: {  	_ =	swait.ge [sflag:s31], $0x6400  }
0x20f: {  	[sflag:s31] =	ssyncset.done $0x0  }
0x210: {  	[sflag:s31] =	ssyncadd.s32 $0xFFFF9C00  }
0x211: {  	_ =	sfence.sel $0x180000  }
0x212: {  	[bflag:$0x0] =	sbarrier.arrive $0xFFFF  }
0x213: {  	_ =	strace $0x90000047  }
0x214: {  	s0 =	stileid.u32;
	[bflag:$0x2] =	sbarrier.arrive $0xFFFF  }
0x215: {  	p0 =	sne.s32 s0, $0x0;
	s0 =	rddreg [dreg:$0x2]  }
0x216: {  	s0 =	sadd.s32 @!p0 $0x100000, s0  }
0x217: {  	[sflag:s0] =	ssyncadd.tile.s32 @!p0 $0x1;
	_ =	shalt  }
.Lfunc_end2:
_tile_overlayer_lowered:
.L_overlay_start_2:
0x218: {  	(tag) =	ssettag $0x2  }
0x219: {  	s0 =	rddreg [dreg:$0x0];
	s2 =	stileid.u32  }
0x21a: {  	s1 =	rddreg [dreg:$0x1];
	p0 =	sne.s32 s2, $0x0  }
0x21b: {  	s3 =	rddreg [dreg:$0x2];
	[bflag:$0x3] =	sbarrier.arrive $0xFFFF;
	s2 =	simm.s32 @!p0 $0x1C03  }
0x21c: {  	[timem:s3], [sflag:s2] =	dma.local @!p0 [hbm:s0], s1  }
0x21d: {  	s0 =	simm.s32 @!p0 $0x3  }
0x21e: {  	_ =	swait.ge @!p0 [sflag:s0], s1  }
0x21f: {  	s1 =	ssub.s32 @!p0 $0x0, s1;
	[sflag:s0] =	ssyncset.done @!p0 $0x0  }
0x220: {  	[sflag:s0] =	ssyncadd.s32 @!p0 s1  }
0x221: {  	[bflag:$0x3] =	sbarrier.arrive $0xFFFF  }
0x222: {  	_ =	shalt  }

</sc_bundles>
